<compile_context>
chip_gen: v7x
topology: tpu7x:2x2x1
jax: 0.10.2.dev20260603
libtpu: 0.0.44.dev20260713+nightly
codegen_flags: <defaults>
</compile_context>

<pallas_src>
import jax
import jax.numpy as jnp
from jax import lax
from jax.experimental import pallas as pl
from jax.experimental.pallas import tpu as pltpu
from jax.experimental.pallas import tpu_sc as plsc

N = 10000
E = 320000
F_IN = 128
F_OUT = 32
F3 = 3 * F_OUT
NC = 2
NS = 16
NW = NC * NS

EPW_A = E // NW


def _deg_body(col_hbm, w_hbm, degp_hbm, col_v, w_v, acc_v):
    wid = lax.axis_index("s") * NC + lax.axis_index("c")
    base = wid * EPW_A
    pltpu.sync_copy(col_hbm.at[pl.ds(base, EPW_A)], col_v)
    pltpu.sync_copy(w_hbm.at[pl.ds(base, EPW_A)], w_v)

    zero16 = jnp.zeros((16,), jnp.float32)

    @plsc.parallel_loop(0, N // 16)
    def _zero(j):
        acc_v[pl.ds(j * 16, 16)] = zero16

    @plsc.parallel_loop(0, EPW_A // 16, unroll=4)
    def _edges(g):
        b = g * 16
        c16 = col_v[pl.ds(b, 16)]
        w16 = w_v[pl.ds(b, 16)]
        plsc.addupdate_scatter(acc_v, [c16], w16)

    pltpu.sync_copy(acc_v, degp_hbm.at[wid])


def _deg_partials(col, w):
    mesh = plsc.VectorSubcoreMesh(core_axis_name="c", subcore_axis_name="s")
    return pl.kernel(
        _deg_body,
        compiler_params=pltpu.CompilerParams(needs_layout_passes=False, use_tc_tiling_on_sc=False),
        out_type=jax.ShapeDtypeStruct((NW, N), jnp.float32),
        mesh=mesh,
        scratch_types=[
            pltpu.VMEM((EPW_A,), jnp.int32),
            pltpu.VMEM((EPW_A,), jnp.float32),
            pltpu.VMEM((N,), jnp.float32),
        ],
    )(col, w)


BN_B = 500


def _xwn_body(x_ref, degp_ref, wcatT_ref, xwnT_ref, dis_ref):
    deg = jnp.sum(degp_ref[...], axis=0, keepdims=True) + 1.0
    dis = lax.rsqrt(deg)
    xwT = lax.dot_general(wcatT_ref[...], x_ref[...],
                          (((1,), (1,)), ((), ())),
                          preferred_element_type=jnp.float32)
    xwnT_ref[...] = xwT * dis
    dis_ref[...] = dis


def _xwn(x, degp, wcatT):
    return pl.pallas_call(
        _xwn_body,
        out_shape=[
            jax.ShapeDtypeStruct((F3, N), jnp.float32),
            jax.ShapeDtypeStruct((1, N), jnp.float32),
        ],
    )(x, degp, wcatT)


SPLIT_F = 16
SPLIT_E = NW // SPLIT_F
FPW = F3 // SPLIT_F
EPW_C = E // SPLIT_E
CH_C = 1600
NCH_C = EPW_C // CH_C
NCH_T = E // CH_C
NBUF = 2


def _msg_body(epack_hbm, xwnT_hbm, accp_hbm, table_v, acc_v, e_v, sems):
    wid = lax.axis_index("s") * NC + lax.axis_index("c")
    fgroup = wid % SPLIT_F
    eslice = wid // SPLIT_F
    fbase = fgroup * FPW
    cbase = eslice * NCH_C

    def issue(ci, b):
        cidx = cbase + jnp.minimum(ci, NCH_C - 1)
        pltpu.async_copy(epack_hbm.at[cidx], e_v.at[b], sems.at[b])

    def drain(b):
        pltpu.make_async_copy(epack_hbm.at[0], e_v.at[b], sems.at[b]).wait()

    for b in range(NBUF):
        issue(jnp.int32(b), b)

    pltpu.sync_copy(xwnT_hbm.at[pl.ds(fbase, FPW)], table_v)

    zero16 = jnp.zeros((16,), jnp.float32)
    for f in range(FPW):
        @plsc.parallel_loop(0, N // 16)
        def _zero(j, f=f):
            acc_v[f, pl.ds(j * 16, 16)] = zero16

    @pl.loop(0, NCH_C, step=NBUF)
    def _chunk(g):
        for b in range(NBUF):
            ci = g + b
            drain(b)

            @plsc.parallel_loop(0, CH_C // 16, unroll=2)
            def _group(gg, b=b):
                o = gg * 16
                seq = lax.iota(jnp.int32, 16) + o
                r16 = seq
                c16 = seq
                w16 = plsc.bitcast(e_v[b, 2, pl.ds(o, 16)], jnp.float32)
                for f in range(FPW):
                    t = plsc.load_gather(table_v.at[f], [r16])
                    plsc.addupdate_scatter(acc_v.at[f], [c16], t * w16)

            issue(ci + NBUF, b)

    for b in range(NBUF):
        drain(b)
    pltpu.sync_copy(acc_v, accp_hbm.at[eslice, pl.ds(fbase, FPW)])


def _msg_partials(epack, xwnT):
    mesh = plsc.VectorSubcoreMesh(core_axis_name="c", subcore_axis_name="s")
    return pl.kernel(
        _msg_body,
        compiler_params=pltpu.CompilerParams(needs_layout_passes=False, use_tc_tiling_on_sc=False),
        out_type=jax.ShapeDtypeStruct((SPLIT_E, F3, N), jnp.float32),
        mesh=mesh,
        scratch_types=[
            pltpu.VMEM((FPW, N), jnp.float32),
            pltpu.VMEM((FPW, N), jnp.float32),
            pltpu.VMEM((NBUF, 3, CH_C), jnp.int32),
            pltpu.SemaphoreType.DMA((NBUF,)),
        ],
    )(epack, xwnT)


BN_D = 500


def _gates_body(accp_ref, xwnT_ref, dis_ref, hT_ref, bcat_ref,
                wz1_ref, wz2_ref, bz_ref, wr1_ref, wr2_ref, br_ref,
                wh1_ref, wh2_ref, bh_ref, wo_ref, bo_ref,
                hnT_ref, yT_ref):
    acc = accp_ref[0] + accp_ref[1]
    dis = dis_ref[...]
    S = dis * (acc + xwnT_ref[...]) + bcat_ref[...]
    cz = S[0:F_OUT]
    cr = S[F_OUT:2 * F_OUT]
    ch = S[2 * F_OUT:F3]
    H = hT_ref[...]

    def mm(a, b):
        return jnp.dot(a, b, preferred_element_type=jnp.float32)

    Z = jax.nn.sigmoid(mm(wz1_ref[...], cz) + mm(wz2_ref[...], H) + bz_ref[...])
    R = jax.nn.sigmoid(mm(wr1_ref[...], cr) + mm(wr2_ref[...], H) + br_ref[...])
    Ht = jnp.tanh(mm(wh1_ref[...], ch) + mm(wh2_ref[...], H * R) + bh_ref[...])
    Hn = Z * H + (1.0 - Z) * Ht
    hnT_ref[...] = Hn
    yT_ref[...] = mm(wo_ref[...], jnp.maximum(Hn, 0.0)) + bo_ref[...]


def _gates(accp, xwnT, dis, hT, bcat, wz1, wz2, bz, wr1, wr2, br,
           wh1, wh2, bh, wo, bo):
    return pl.pallas_call(
        _gates_body,
        out_shape=[
            jax.ShapeDtypeStruct((F_OUT, N), jnp.float32),
            jax.ShapeDtypeStruct((1, N), jnp.float32),
        ],
    )(accp, xwnT, dis, hT, bcat, wz1, wz2, bz, wr1, wr2, br,
      wh1, wh2, bh, wo, bo)


def kernel(x, edge_index, edge_weight, prev_hidden_state,
           W_conv_z, b_conv_z, W_conv_r, b_conv_r, W_conv_h, b_conv_h,
           W_lin_z, b_lin_z, W_lin_r, b_lin_r, W_lin_h, b_lin_h,
           W_out, b_out):
    row = edge_index[0]
    col = edge_index[1]

    wbits = lax.bitcast_convert_type(edge_weight, jnp.int32)
    epack = jnp.stack([row.reshape(NCH_T, CH_C),
                       col.reshape(NCH_T, CH_C),
                       wbits.reshape(NCH_T, CH_C)], axis=1)

    hT = prev_hidden_state.T
    wcatT = jnp.concatenate([W_conv_z, W_conv_r, W_conv_h], axis=1).T
    bcat = jnp.concatenate([b_conv_z, b_conv_r, b_conv_h]).reshape(F3, 1)

    degp = _deg_partials(col, edge_weight)
    xwnT, dis = _xwn(x, degp, wcatT)
    accp = _msg_partials(epack, xwnT)

    hnT, yT = _gates(
        accp, xwnT, dis, hT, bcat,
        W_lin_z[:F_OUT].T, W_lin_z[F_OUT:].T, b_lin_z.reshape(F_OUT, 1),
        W_lin_r[:F_OUT].T, W_lin_r[F_OUT:].T, b_lin_r.reshape(F_OUT, 1),
        W_lin_h[:F_OUT].T, W_lin_h[F_OUT:].T, b_lin_h.reshape(F_OUT, 1),
        W_out.T, b_out.reshape(1, 1),
    )
    return yT.T, hnT.T

# --- scband reference (transcript-rebuilt; emitter-appended) ---
"""Pipeline reference for scband-recurrent-gcn-tgcn-15693810499718 (READ-ONLY COPY).

The authoritative reference and input builder live on the scoring server;
editing this copy changes nothing except your own understanding.
"""

import jax, jax.numpy as jnp
import numpy as np

N = 10000
E = 320000
F_IN = 128
F_OUT = 32


def _gcn_conv(x, edge_index, edge_weight, W, b):
    # GCNConv with add_self_loops=True, symmetric normalization (PyG gcn_norm)
    num_nodes = x.shape[0]
    row = edge_index[0]
    col = edge_index[1]
    loop = jnp.arange(num_nodes, dtype=row.dtype)
    row = jnp.concatenate([row, loop])
    col = jnp.concatenate([col, loop])
    w = jnp.concatenate([edge_weight, jnp.ones((num_nodes,), dtype=edge_weight.dtype)])
    deg = jnp.zeros((num_nodes,), dtype=w.dtype).at[col].add(w)
    safe_deg = jnp.where(deg > 0, deg, 1.0)
    dis = jnp.where(deg > 0, jax.lax.rsqrt(safe_deg), 0.0)
    norm = dis[row] * w * dis[col]
    xw = x @ W
    msg = xw[row] * norm[:, None]
    out = jnp.zeros((num_nodes, W.shape[1]), dtype=xw.dtype).at[col].add(msg)
    return out + b


def _tgcn_forward(x, edge_index, edge_weight, H, params):
    (W_conv_z, b_conv_z, W_conv_r, b_conv_r, W_conv_h, b_conv_h,
     W_lin_z, b_lin_z, W_lin_r, b_lin_r, W_lin_h, b_lin_h,
     W_out, b_out) = params
    # update gate
    cz = _gcn_conv(x, edge_index, edge_weight, W_conv_z, b_conv_z)
    Z = jax.nn.sigmoid(jnp.concatenate([cz, H], axis=1) @ W_lin_z + b_lin_z)
    # reset gate
    cr = _gcn_conv(x, edge_index, edge_weight, W_conv_r, b_conv_r)
    R = jax.nn.sigmoid(jnp.concatenate([cr, H], axis=1) @ W_lin_r + b_lin_r)
    # candidate state
    ch = _gcn_conv(x, edge_index, edge_weight, W_conv_h, b_conv_h)
    H_tilde = jnp.tanh(jnp.concatenate([ch, H * R], axis=1) @ W_lin_h + b_lin_h)
    H_new = Z * H + (1.0 - Z) * H_tilde
    # wrapper head: y = Linear(relu(h))
    y = jax.nn.relu(H_new) @ W_out + b_out
    return y, H_new


def setup_inputs(seed: int = 0) -> dict:
    key = jax.random.key(seed)
    ks = jax.random.split(key, 16)
    s = 0.1
    inp = {}
    inp["x"] = jax.random.normal(ks[0], (N, F_IN), dtype=jnp.float32)
    inp["edge_index"] = jax.random.randint(ks[1], (2, E), 0, N, dtype=jnp.int32)
    inp["edge_weight"] = jax.random.uniform(ks[2], (E,), dtype=jnp.float32)
    inp["prev_hidden_state"] = jax.random.normal(ks[3], (N, F_OUT), dtype=jnp.float32)
    # TGCN GCNConv weights (stored as [in, out])
    inp["W_conv_z"] = jax.random.normal(ks[4], (F_IN, F_OUT), dtype=jnp.float32) * s
    inp["b_conv_z"] = jnp.zeros((F_OUT,), dtype=jnp.float32)
    inp["W_conv_r"] = jax.random.normal(ks[5], (F_IN, F_OUT), dtype=jnp.float32) * s
    inp["b_conv_r"] = jnp.zeros((F_OUT,), dtype=jnp.float32)
    inp["W_conv_h"] = jax.random.normal(ks[6], (F_IN, F_OUT), dtype=jnp.float32) * s
    inp["b_conv_h"] = jnp.zeros((F_OUT,), dtype=jnp.float32)
    # TGCN gate Linear(2*F_OUT -> F_OUT) weights (stored as [in, out])
    inp["W_lin_z"] = jax.random.normal(ks[7], (2 * F_OUT, F_OUT), dtype=jnp.float32) * s
    inp["b_lin_z"] = jnp.zeros((F_OUT,), dtype=jnp.float32)
    inp["W_lin_r"] = jax.random.normal(ks[8], (2 * F_OUT, F_OUT), dtype=jnp.float32) * s
    inp["b_lin_r"] = jnp.zeros((F_OUT,), dtype=jnp.float32)
    inp["W_lin_h"] = jax.random.normal(ks[9], (2 * F_OUT, F_OUT), dtype=jnp.float32) * s
    inp["b_lin_h"] = jnp.zeros((F_OUT,), dtype=jnp.float32)
    # wrapper output head Linear(32 -> 1)
    inp["W_out"] = jax.random.normal(ks[10], (F_OUT, 1), dtype=jnp.float32) * s
    inp["b_out"] = jnp.zeros((1,), dtype=jnp.float32)
    return inp


def reference(x, edge_index, edge_weight, prev_hidden_state,
              W_conv_z, b_conv_z, W_conv_r, b_conv_r, W_conv_h, b_conv_h,
              W_lin_z, b_lin_z, W_lin_r, b_lin_r, W_lin_h, b_lin_h,
              W_out, b_out):
    params = (W_conv_z, b_conv_z, W_conv_r, b_conv_r, W_conv_h, b_conv_h,
              W_lin_z, b_lin_z, W_lin_r, b_lin_r, W_lin_h, b_lin_h,
              W_out, b_out)
    return _tgcn_forward(x, edge_index, edge_weight, prev_hidden_state, params)

if __name__ == "__main__":
    import jax
    _d = setup_inputs()
    print(jax.jit(kernel)(*tuple(_d.values())))

</pallas_src>

<mosaic_0001>
#map = affine_map<(d0, d1) -> (0)>
#map1 = affine_map<(d0, d1) -> (0, 0)>
module attributes {stable_mosaic.version = 14 : i64} {
  func.func @_deg_body(%arg0: i32, %arg1: i32, %arg2: memref<320000xi32, #tpu.memory_space<hbm>>, %arg3: memref<320000xf32, #tpu.memory_space<hbm>>, %arg4: memref<32x10000xf32, #tpu.memory_space<hbm>>, %arg5: memref<10000xi32, #tpu.memory_space<vmem>>, %arg6: memref<10000xf32, #tpu.memory_space<vmem>>, %arg7: memref<10000xf32, #tpu.memory_space<vmem>>) attributes {dimension_semantics = [#tpu.dimension_semantics<core_parallel>, #tpu.dimension_semantics<subcore_parallel>], iteration_bounds = array<i64: 2, 16>, scalar_prefetch = 0 : i64, scratch_operands = 3 : i64, tpu.core_type = #tpu.core_type<sc_vector_subcore>, window_params = [{transform_indices = #map}, {transform_indices = #map}, {transform_indices = #map1}]} {
    %mul3A = arith.constant 2 : i32
    %mul3A_0 = arith.muli %arg1, %mul3A : i32
    %add3A = arith.addi %mul3A_0, %arg0 : i32
    %mul3A_1 = arith.constant 10000 : i32
    %mul3A_2 = arith.muli %add3A, %mul3A_1 : i32
    "tpu.region"() ({
      %run_scoped3A = tpu.sem_alloc : memref<!tpu.dma_semaphore, #tpu.memory_space<semaphore_mem>>
      %dma_start3A = tpu.memref_slice %arg2[%mul3A_2] : memref<320000xi32, #tpu.memory_space<hbm>> -> memref<10000xi32, #tpu.memory_space<hbm>>
      %dma_start3A_9 = tpu.memref_slice %arg2[%mul3A_2] : memref<320000xi32, #tpu.memory_space<hbm>> -> memref<10000xi32, #tpu.memory_space<hbm>>
      tpu.enqueue_dma source(%dma_start3A_9 : memref<10000xi32, #tpu.memory_space<hbm>>) target(%arg5 : memref<10000xi32, #tpu.memory_space<vmem>>) target_semaphore(%run_scoped3A : memref<!tpu.dma_semaphore, #tpu.memory_space<semaphore_mem>>)
      %dma_wait3A = tpu.memref_slice %arg2[%mul3A_2] : memref<320000xi32, #tpu.memory_space<hbm>> -> memref<10000xi32, #tpu.memory_space<hbm>>
      %dma_wait3A_10 = tpu.memref_slice %arg2[%mul3A_2] : memref<320000xi32, #tpu.memory_space<hbm>> -> memref<10000xi32, #tpu.memory_space<hbm>>
      tpu.wait_dma2 semaphore(%run_scoped3A : memref<!tpu.dma_semaphore, #tpu.memory_space<semaphore_mem>>) src(%dma_wait3A_10 : memref<10000xi32, #tpu.memory_space<hbm>>) dst(%arg5 : memref<10000xi32, #tpu.memory_space<vmem>>)
      tpu.yield
    }) : () -> ()
    "tpu.region"() ({
      %run_scoped3A = tpu.sem_alloc : memref<!tpu.dma_semaphore, #tpu.memory_space<semaphore_mem>>
      %dma_start3A = tpu.memref_slice %arg3[%mul3A_2] : memref<320000xf32, #tpu.memory_space<hbm>> -> memref<10000xf32, #tpu.memory_space<hbm>>
      %dma_start3A_9 = tpu.memref_slice %arg3[%mul3A_2] : memref<320000xf32, #tpu.memory_space<hbm>> -> memref<10000xf32, #tpu.memory_space<hbm>>
      tpu.enqueue_dma source(%dma_start3A_9 : memref<10000xf32, #tpu.memory_space<hbm>>) target(%arg6 : memref<10000xf32, #tpu.memory_space<vmem>>) target_semaphore(%run_scoped3A : memref<!tpu.dma_semaphore, #tpu.memory_space<semaphore_mem>>)
      %dma_wait3A = tpu.memref_slice %arg3[%mul3A_2] : memref<320000xf32, #tpu.memory_space<hbm>> -> memref<10000xf32, #tpu.memory_space<hbm>>
      %dma_wait3A_10 = tpu.memref_slice %arg3[%mul3A_2] : memref<320000xf32, #tpu.memory_space<hbm>> -> memref<10000xf32, #tpu.memory_space<hbm>>
      tpu.wait_dma2 semaphore(%run_scoped3A : memref<!tpu.dma_semaphore, #tpu.memory_space<semaphore_mem>>) src(%dma_wait3A_10 : memref<10000xf32, #tpu.memory_space<hbm>>) dst(%arg6 : memref<10000xf32, #tpu.memory_space<vmem>>)
      tpu.yield
    }) : () -> ()
    %broadcast_in_dim3A = arith.constant 0.000000e+00 : f32
    %broadcast_in_dim3A_3 = vector.broadcast %broadcast_in_dim3A : f32 to vector<16xf32>
    %parallel_loop3A = arith.constant 0 : i32
    %parallel_loop3A_4 = arith.constant 625 : i32
    %parallel_loop3A_5 = arith.constant 1 : i32
    scf.for %parallel_loop3A_9 = %parallel_loop3A to %parallel_loop3A_4 step %parallel_loop3A_5  : i32 {
      %parallel_loop3A_10 = arith.constant 16 : i32
      %parallel_loop3A_11 = arith.muli %parallel_loop3A_9, %parallel_loop3A_10 : i32
      %parallel_loop3A_12 = arith.index_cast %parallel_loop3A_11 : i32 to index
      %parallel_loop3A_13 = tpu.vector_load %arg7[%parallel_loop3A_12] {strides = array<i32>} : memref<10000xf32, #tpu.memory_space<vmem>>, vector<16xf32>,
      tpu.vector_store %arg7[%parallel_loop3A_12], %broadcast_in_dim3A_3 {strides = array<i32>} : memref<10000xf32, #tpu.memory_space<vmem>>, vector<16xf32>,
    } {sc.loop_unroll_factor = 1 : i64, sc.parallel_access}
    %parallel_loop3A_6 = arith.constant 0 : i32
    %parallel_loop3A_7 = arith.constant 625 : i32
    %parallel_loop3A_8 = arith.constant 1 : i32
    scf.for %parallel_loop3A_9 = %parallel_loop3A_6 to %parallel_loop3A_7 step %parallel_loop3A_8  : i32 {
      %parallel_loop3A_10 = arith.constant 16 : i32
      %parallel_loop3A_11 = arith.muli %parallel_loop3A_9, %parallel_loop3A_10 : i32
      %parallel_loop3A_12 = arith.index_cast %parallel_loop3A_11 : i32 to index
      %parallel_loop3A_13 = tpu.vector_load %arg5[%parallel_loop3A_12] {strides = array<i32>} : memref<10000xi32, #tpu.memory_space<vmem>>, vector<16xi32>,
      %parallel_loop3A_14 = arith.index_cast %parallel_loop3A_11 : i32 to index
      %parallel_loop3A_15 = tpu.vector_load %arg6[%parallel_loop3A_14] {strides = array<i32>} : memref<10000xf32, #tpu.memory_space<vmem>>, vector<16xf32>,
      tpu.vector_store_idx %arg7[%parallel_loop3A_13], %parallel_loop3A_15 {add = true} : memref<10000xf32, #tpu.memory_space<vmem>>[vector<16xi32>], vector<16xf32>,
    } {sc.loop_unroll_factor = 4 : i64, sc.parallel_access}
    "tpu.region"() ({
      %run_scoped3A = tpu.sem_alloc : memref<!tpu.dma_semaphore, #tpu.memory_space<semaphore_mem>>
      %dma_start3A = arith.constant 0 : i32
      %dma_start3A_9 = tpu.memref_slice %arg4[%add3A, %dma_start3A] : memref<32x10000xf32, #tpu.memory_space<hbm>> -> memref<1x10000xf32, #tpu.memory_space<hbm>>
      %dma_start3A_10 = tpu.memref_squeeze %dma_start3A_9 : memref<1x10000xf32, #tpu.memory_space<hbm>> -> memref<10000xf32, #tpu.memory_space<hbm>>
      %dma_start3A_11 = arith.constant 0 : i32
      %dma_start3A_12 = tpu.memref_slice %arg4[%add3A, %dma_start3A_11] : memref<32x10000xf32, #tpu.memory_space<hbm>> -> memref<1x10000xf32, #tpu.memory_space<hbm>>
      %dma_start3A_13 = tpu.memref_squeeze %dma_start3A_12 : memref<1x10000xf32, #tpu.memory_space<hbm>> -> memref<10000xf32, #tpu.memory_space<hbm>>
      tpu.enqueue_dma source(%arg7 : memref<10000xf32, #tpu.memory_space<vmem>>) target(%dma_start3A_13 : memref<10000xf32, #tpu.memory_space<hbm>>) target_semaphore(%run_scoped3A : memref<!tpu.dma_semaphore, #tpu.memory_space<semaphore_mem>>)
      %dma_wait3A = arith.constant 0 : i32
      %dma_wait3A_14 = tpu.memref_slice %arg4[%add3A, %dma_wait3A] : memref<32x10000xf32, #tpu.memory_space<hbm>> -> memref<1x10000xf32, #tpu.memory_space<hbm>>
      %dma_wait3A_15 = tpu.memref_squeeze %dma_wait3A_14 : memref<1x10000xf32, #tpu.memory_space<hbm>> -> memref<10000xf32, #tpu.memory_space<hbm>>
      %dma_wait3A_16 = arith.constant 0 : i32
      %dma_wait3A_17 = tpu.memref_slice %arg4[%add3A, %dma_wait3A_16] : memref<32x10000xf32, #tpu.memory_space<hbm>> -> memref<1x10000xf32, #tpu.memory_space<hbm>>
      %dma_wait3A_18 = tpu.memref_squeeze %dma_wait3A_17 : memref<1x10000xf32, #tpu.memory_space<hbm>> -> memref<10000xf32, #tpu.memory_space<hbm>>
      tpu.wait_dma2 semaphore(%run_scoped3A : memref<!tpu.dma_semaphore, #tpu.memory_space<semaphore_mem>>) src(%arg7 : memref<10000xf32, #tpu.memory_space<vmem>>) dst(%dma_wait3A_18 : memref<10000xf32, #tpu.memory_space<hbm>>)
      tpu.yield
    }) : () -> ()
    return
  }
}

#map = affine_map<(d0, d1) -> (0, 0, 0)>
#map1 = affine_map<(d0, d1) -> (0, 0)>
module attributes {stable_mosaic.version = 14 : i64} {
  func.func @_msg_body(%arg0: i32, %arg1: i32, %arg2: memref<200x3x1600xi32, #tpu.memory_space<hbm>>, %arg3: memref<96x10000xf32, #tpu.memory_space<hbm>>, %arg4: memref<2x96x10000xf32, #tpu.memory_space<hbm>>, %arg5: memref<6x10000xf32, #tpu.memory_space<vmem>>, %arg6: memref<6x10000xf32, #tpu.memory_space<vmem>>, %arg7: memref<2x3x1600xi32, #tpu.memory_space<vmem>>, %arg8: memref<2x!tpu.dma_semaphore, #tpu.memory_space<semaphore_mem>>) attributes {dimension_semantics = [#tpu.dimension_semantics<core_parallel>, #tpu.dimension_semantics<subcore_parallel>], iteration_bounds = array<i64: 2, 16>, scalar_prefetch = 0 : i64, scratch_operands = 4 : i64, tpu.core_type = #tpu.core_type<sc_vector_subcore>, window_params = [{transform_indices = #map}, {transform_indices = #map1}, {transform_indices = #map}]} {
    %mul3A = arith.constant 2 : i32
    %mul3A_0 = arith.muli %arg1, %mul3A : i32
    %add3A = arith.addi %mul3A_0, %arg0 : i32
    %jit3A = arith.constant 16 : i32
    %eq3A = arith.constant 0 : i32
    %eq3A_1 = arith.cmpi eq, %jit3A, %eq3A : i32
    %jit3A_2 = arith.constant 1 : i32
    %select_n3A = arith.select %eq3A_1, %jit3A_2, %jit3A : i32
    %rem3A = arith.remsi %add3A, %select_n3A : i32
    %ne3A = arith.constant 0 : i32
    %ne3A_3 = arith.cmpi ne, %rem3A, %ne3A : i32
    %lt3A = arith.constant 0 : i32
    %lt3A_4 = arith.cmpi slt, %rem3A, %lt3A : i32
    %lt3A_5 = arith.constant 0 : i32
    %lt3A_6 = arith.cmpi slt, %select_n3A, %lt3A_5 : i32
    %ne3A_7 = arith.xori %lt3A_4, %lt3A_6 : i1
    %and3A = arith.andi %ne3A_7, %ne3A_3 : i1
    %add3A_8 = arith.addi %rem3A, %select_n3A : i32
    %select_n3A_9 = arith.select %and3A, %add3A_8, %rem3A : i32
    %jit3A_10 = arith.constant 16 : i32
    %div3A = arith.divsi %add3A, %jit3A_10 : i32
    %sign3A = arith.constant 0 : i32
    %sign3A_11 = arith.cmpi sgt, %add3A, %sign3A : i32
    %sign3A_12 = arith.extui %sign3A_11 : i1 to i32
    %sign3A_13 = arith.constant 0 : i32
    %sign3A_14 = arith.cmpi slt, %add3A, %sign3A_13 : i32
    %sign3A_15 = arith.extui %sign3A_14 : i1 to i32
    %sign3A_16 = arith.subi %sign3A_12, %sign3A_15 : i32
    %sign3A_17 = arith.constant 0 : i32
    %sign3A_18 = arith.cmpi sgt, %jit3A_10, %sign3A_17 : i32
    %sign3A_19 = arith.extui %sign3A_18 : i1 to i32
    %sign3A_20 = arith.constant 0 : i32
    %sign3A_21 = arith.cmpi slt, %jit3A_10, %sign3A_20 : i32
    %sign3A_22 = arith.extui %sign3A_21 : i1 to i32
    %sign3A_23 = arith.subi %sign3A_19, %sign3A_22 : i32
    %ne3A_24 = arith.cmpi ne, %sign3A_16, %sign3A_23 : i32
    %rem3A_25 = arith.remsi %add3A, %jit3A_10 : i32
    %ne3A_26 = arith.constant 0 : i32
    %ne3A_27 = arith.cmpi ne, %rem3A_25, %ne3A_26 : i32
    %and3A_28 = arith.andi %ne3A_24, %ne3A_27 : i1
    %sub3A = arith.constant 1 : i32
    %sub3A_29 = arith.subi %div3A, %sub3A : i32
    %select_n3A_30 = arith.select %and3A_28, %sub3A_29, %div3A : i32
    %mul3A_31 = arith.constant 6 : i32
    %mul3A_32 = arith.muli %select_n3A_9, %mul3A_31 : i32
    %mul3A_33 = arith.constant 100 : i32
    %mul3A_34 = arith.muli %select_n3A_30, %mul3A_33 : i32
    %min3A = arith.constant 0 : i32
    %min3A_35 = arith.constant 99 : i32
    %min3A_36 = arith.minsi %min3A, %min3A_35 : i32
    %add3A_37 = arith.addi %mul3A_34, %min3A_36 : i32
    %dma_start3A = arith.constant 0 : i32
    %dma_start3A_38 = arith.constant 0 : i32
    %dma_start3A_39 = arith.constant 0 : i32
    %dma_start3A_40 = arith.constant 0 : i32
    %dma_start3A_41 = tpu.memref_slice %arg7[%dma_start3A, %dma_start3A_39, %dma_start3A_40] : memref<2x3x1600xi32, #tpu.memory_space<vmem>> -> memref<1x3x1600xi32, #tpu.memory_space<vmem>>
    %dma_start3A_42 = tpu.memref_squeeze %dma_start3A_41 : memref<1x3x1600xi32, #tpu.memory_space<vmem>> -> memref<3x1600xi32, #tpu.memory_space<vmem>>
    %dma_start3A_43 = arith.constant 0 : i32
    %dma_start3A_44 = arith.constant 0 : i32
    %dma_start3A_45 = tpu.memref_slice %arg2[%add3A_37, %dma_start3A_43, %dma_start3A_44] : memref<200x3x1600xi32, #tpu.memory_space<hbm>> -> memref<1x3x1600xi32, #tpu.memory_space<hbm>>
    %dma_start3A_46 = tpu.memref_squeeze %dma_start3A_45 : memref<1x3x1600xi32, #tpu.memory_space<hbm>> -> memref<3x1600xi32, #tpu.memory_space<hbm>>
    %dma_start3A_47 = tpu.memref_slice %arg8[%dma_start3A_38] : memref<2x!tpu.dma_semaphore, #tpu.memory_space<semaphore_mem>> -> memref<1x!tpu.dma_semaphore, #tpu.memory_space<semaphore_mem>>
    %dma_start3A_48 = tpu.memref_squeeze %dma_start3A_47 : memref<1x!tpu.dma_semaphore, #tpu.memory_space<semaphore_mem>> -> memref<!tpu.dma_semaphore, #tpu.memory_space<semaphore_mem>>
    %dma_start3A_49 = arith.constant 0 : i32
    %dma_start3A_50 = arith.constant 0 : i32
    %dma_start3A_51 = tpu.memref_slice %arg7[%dma_start3A, %dma_start3A_49, %dma_start3A_50] : memref<2x3x1600xi32, #tpu.memory_space<vmem>> -> memref<1x3x1600xi32, #tpu.memory_space<vmem>>
    %dma_start3A_52 = tpu.memref_squeeze %dma_start3A_51 : memref<1x3x1600xi32, #tpu.memory_space<vmem>> -> memref<3x1600xi32, #tpu.memory_space<vmem>>
    %dma_start3A_53 = arith.constant 0 : i32
    %dma_start3A_54 = arith.constant 0 : i32
    %dma_start3A_55 = tpu.memref_slice %arg2[%add3A_37, %dma_start3A_53, %dma_start3A_54] : memref<200x3x1600xi32, #tpu.memory_space<hbm>> -> memref<1x3x1600xi32, #tpu.memory_space<hbm>>
    %dma_start3A_56 = tpu.memref_squeeze %dma_start3A_55 : memref<1x3x1600xi32, #tpu.memory_space<hbm>> -> memref<3x1600xi32, #tpu.memory_space<hbm>>
    tpu.enqueue_dma source(%dma_start3A_56 : memref<3x1600xi32, #tpu.memory_space<hbm>>) target(%dma_start3A_52 : memref<3x1600xi32, #tpu.memory_space<vmem>>) target_semaphore(%dma_start3A_48 : memref<!tpu.dma_semaphore, #tpu.memory_space<semaphore_mem>>)
    %min3A_57 = arith.constant 1 : i32
    %min3A_58 = arith.constant 99 : i32
    %min3A_59 = arith.minsi %min3A_57, %min3A_58 : i32
    %add3A_60 = arith.addi %mul3A_34, %min3A_59 : i32
    %dma_start3A_61 = arith.constant 1 : i32
    %dma_start3A_62 = arith.constant 1 : i32
    %dma_start3A_63 = arith.constant 0 : i32
    %dma_start3A_64 = arith.constant 0 : i32
    %dma_start3A_65 = tpu.memref_slice %arg7[%dma_start3A_61, %dma_start3A_63, %dma_start3A_64] : memref<2x3x1600xi32, #tpu.memory_space<vmem>> -> memref<1x3x1600xi32, #tpu.memory_space<vmem>>
    %dma_start3A_66 = tpu.memref_squeeze %dma_start3A_65 : memref<1x3x1600xi32, #tpu.memory_space<vmem>> -> memref<3x1600xi32, #tpu.memory_space<vmem>>
    %dma_start3A_67 = arith.constant 0 : i32
    %dma_start3A_68 = arith.constant 0 : i32
    %dma_start3A_69 = tpu.memref_slice %arg2[%add3A_60, %dma_start3A_67, %dma_start3A_68] : memref<200x3x1600xi32, #tpu.memory_space<hbm>> -> memref<1x3x1600xi32, #tpu.memory_space<hbm>>
    %dma_start3A_70 = tpu.memref_squeeze %dma_start3A_69 : memref<1x3x1600xi32, #tpu.memory_space<hbm>> -> memref<3x1600xi32, #tpu.memory_space<hbm>>
    %dma_start3A_71 = tpu.memref_slice %arg8[%dma_start3A_62] : memref<2x!tpu.dma_semaphore, #tpu.memory_space<semaphore_mem>> -> memref<1x!tpu.dma_semaphore, #tpu.memory_space<semaphore_mem>>
    %dma_start3A_72 = tpu.memref_squeeze %dma_start3A_71 : memref<1x!tpu.dma_semaphore, #tpu.memory_space<semaphore_mem>> -> memref<!tpu.dma_semaphore, #tpu.memory_space<semaphore_mem>>
    %dma_start3A_73 = arith.constant 0 : i32
    %dma_start3A_74 = arith.constant 0 : i32
    %dma_start3A_75 = tpu.memref_slice %arg7[%dma_start3A_61, %dma_start3A_73, %dma_start3A_74] : memref<2x3x1600xi32, #tpu.memory_space<vmem>> -> memref<1x3x1600xi32, #tpu.memory_space<vmem>>
    %dma_start3A_76 = tpu.memref_squeeze %dma_start3A_75 : memref<1x3x1600xi32, #tpu.memory_space<vmem>> -> memref<3x1600xi32, #tpu.memory_space<vmem>>
    %dma_start3A_77 = arith.constant 0 : i32
    %dma_start3A_78 = arith.constant 0 : i32
    %dma_start3A_79 = tpu.memref_slice %arg2[%add3A_60, %dma_start3A_77, %dma_start3A_78] : memref<200x3x1600xi32, #tpu.memory_space<hbm>> -> memref<1x3x1600xi32, #tpu.memory_space<hbm>>
    %dma_start3A_80 = tpu.memref_squeeze %dma_start3A_79 : memref<1x3x1600xi32, #tpu.memory_space<hbm>> -> memref<3x1600xi32, #tpu.memory_space<hbm>>
    tpu.enqueue_dma source(%dma_start3A_80 : memref<3x1600xi32, #tpu.memory_space<hbm>>) target(%dma_start3A_76 : memref<3x1600xi32, #tpu.memory_space<vmem>>) target_semaphore(%dma_start3A_72 : memref<!tpu.dma_semaphore, #tpu.memory_space<semaphore_mem>>)
    "tpu.region"() ({
      %run_scoped3A = tpu.sem_alloc : memref<!tpu.dma_semaphore, #tpu.memory_space<semaphore_mem>>
      %dma_start3A_144 = arith.constant 0 : i32
      %dma_start3A_145 = tpu.memref_slice %arg3[%mul3A_32, %dma_start3A_144] : memref<96x10000xf32, #tpu.memory_space<hbm>> -> memref<6x10000xf32, #tpu.memory_space<hbm>>
      %dma_start3A_146 = arith.constant 0 : i32
      %dma_start3A_147 = tpu.memref_slice %arg3[%mul3A_32, %dma_start3A_146] : memref<96x10000xf32, #tpu.memory_space<hbm>> -> memref<6x10000xf32, #tpu.memory_space<hbm>>
      tpu.enqueue_dma source(%dma_start3A_147 : memref<6x10000xf32, #tpu.memory_space<hbm>>) target(%arg5 : memref<6x10000xf32, #tpu.memory_space<vmem>>) target_semaphore(%run_scoped3A : memref<!tpu.dma_semaphore, #tpu.memory_space<semaphore_mem>>)
      %dma_wait3A_148 = arith.constant 0 : i32
      %dma_wait3A_149 = tpu.memref_slice %arg3[%mul3A_32, %dma_wait3A_148] : memref<96x10000xf32, #tpu.memory_space<hbm>> -> memref<6x10000xf32, #tpu.memory_space<hbm>>
      %dma_wait3A_150 = arith.constant 0 : i32
      %dma_wait3A_151 = tpu.memref_slice %arg3[%mul3A_32, %dma_wait3A_150] : memref<96x10000xf32, #tpu.memory_space<hbm>> -> memref<6x10000xf32, #tpu.memory_space<hbm>>
      tpu.wait_dma2 semaphore(%run_scoped3A : memref<!tpu.dma_semaphore, #tpu.memory_space<semaphore_mem>>) src(%dma_wait3A_151 : memref<6x10000xf32, #tpu.memory_space<hbm>>) dst(%arg5 : memref<6x10000xf32, #tpu.memory_space<vmem>>)
      tpu.yield
    }) : () -> ()
    %broadcast_in_dim3A = arith.constant 0.000000e+00 : f32
    %broadcast_in_dim3A_81 = vector.broadcast %broadcast_in_dim3A : f32 to vector<16xf32>
    %parallel_loop3A = arith.constant 0 : i32
    %parallel_loop3A_82 = arith.constant 625 : i32
    %parallel_loop3A_83 = arith.constant 1 : i32
    scf.for %parallel_loop3A_144 = %parallel_loop3A to %parallel_loop3A_82 step %parallel_loop3A_83  : i32 {
      %parallel_loop3A_145 = arith.constant 16 : i32
      %parallel_loop3A_146 = arith.muli %parallel_loop3A_144, %parallel_loop3A_145 : i32
      %parallel_loop3A_147 = arith.constant 0 : i32
      %parallel_loop3A_148 = arith.index_cast %parallel_loop3A_147 : i32 to index
      %parallel_loop3A_149 = arith.index_cast %parallel_loop3A_146 : i32 to index
      %parallel_loop3A_150 = tpu.vector_load %arg6[%parallel_loop3A_148, %parallel_loop3A_149] {strides = array<i32>} : memref<6x10000xf32, #tpu.memory_space<vmem>>, vector<16xf32>,
      tpu.vector_store %arg6[%parallel_loop3A_148, %parallel_loop3A_149], %broadcast_in_dim3A_81 {strides = array<i32>} : memref<6x10000xf32, #tpu.memory_space<vmem>>, vector<16xf32>,
    } {sc.loop_unroll_factor = 1 : i64, sc.parallel_access}
    %parallel_loop3A_84 = arith.constant 0 : i32
    %parallel_loop3A_85 = arith.constant 625 : i32
    %parallel_loop3A_86 = arith.constant 1 : i32
    scf.for %parallel_loop3A_144 = %parallel_loop3A_84 to %parallel_loop3A_85 step %parallel_loop3A_86  : i32 {
      %parallel_loop3A_145 = arith.constant 16 : i32
      %parallel_loop3A_146 = arith.muli %parallel_loop3A_144, %parallel_loop3A_145 : i32
      %parallel_loop3A_147 = arith.constant 1 : i32
      %parallel_loop3A_148 = arith.index_cast %parallel_loop3A_147 : i32 to index
      %parallel_loop3A_149 = arith.index_cast %parallel_loop3A_146 : i32 to index
      %parallel_loop3A_150 = tpu.vector_load %arg6[%parallel_loop3A_148, %parallel_loop3A_149] {strides = array<i32>} : memref<6x10000xf32, #tpu.memory_space<vmem>>, vector<16xf32>,
      tpu.vector_store %arg6[%parallel_loop3A_148, %parallel_loop3A_149], %broadcast_in_dim3A_81 {strides = array<i32>} : memref<6x10000xf32, #tpu.memory_space<vmem>>, vector<16xf32>,
    } {sc.loop_unroll_factor = 1 : i64, sc.parallel_access}
    %parallel_loop3A_87 = arith.constant 0 : i32
    %parallel_loop3A_88 = arith.constant 625 : i32
    %parallel_loop3A_89 = arith.constant 1 : i32
    scf.for %parallel_loop3A_144 = %parallel_loop3A_87 to %parallel_loop3A_88 step %parallel_loop3A_89  : i32 {
      %parallel_loop3A_145 = arith.constant 16 : i32
      %parallel_loop3A_146 = arith.muli %parallel_loop3A_144, %parallel_loop3A_145 : i32
      %parallel_loop3A_147 = arith.constant 2 : i32
      %parallel_loop3A_148 = arith.index_cast %parallel_loop3A_147 : i32 to index
      %parallel_loop3A_149 = arith.index_cast %parallel_loop3A_146 : i32 to index
      %parallel_loop3A_150 = tpu.vector_load %arg6[%parallel_loop3A_148, %parallel_loop3A_149] {strides = array<i32>} : memref<6x10000xf32, #tpu.memory_space<vmem>>, vector<16xf32>,
      tpu.vector_store %arg6[%parallel_loop3A_148, %parallel_loop3A_149], %broadcast_in_dim3A_81 {strides = array<i32>} : memref<6x10000xf32, #tpu.memory_space<vmem>>, vector<16xf32>,
    } {sc.loop_unroll_factor = 1 : i64, sc.parallel_access}
    %parallel_loop3A_90 = arith.constant 0 : i32
    %parallel_loop3A_91 = arith.constant 625 : i32
    %parallel_loop3A_92 = arith.constant 1 : i32
    scf.for %parallel_loop3A_144 = %parallel_loop3A_90 to %parallel_loop3A_91 step %parallel_loop3A_92  : i32 {
      %parallel_loop3A_145 = arith.constant 16 : i32
      %parallel_loop3A_146 = arith.muli %parallel_loop3A_144, %parallel_loop3A_145 : i32
      %parallel_loop3A_147 = arith.constant 3 : i32
      %parallel_loop3A_148 = arith.index_cast %parallel_loop3A_147 : i32 to index
      %parallel_loop3A_149 = arith.index_cast %parallel_loop3A_146 : i32 to index
      %parallel_loop3A_150 = tpu.vector_load %arg6[%parallel_loop3A_148, %parallel_loop3A_149] {strides = array<i32>} : memref<6x10000xf32, #tpu.memory_space<vmem>>, vector<16xf32>,
      tpu.vector_store %arg6[%parallel_loop3A_148, %parallel_loop3A_149], %broadcast_in_dim3A_81 {strides = array<i32>} : memref<6x10000xf32, #tpu.memory_space<vmem>>, vector<16xf32>,
    } {sc.loop_unroll_factor = 1 : i64, sc.parallel_access}
    %parallel_loop3A_93 = arith.constant 0 : i32
    %parallel_loop3A_94 = arith.constant 625 : i32
    %parallel_loop3A_95 = arith.constant 1 : i32
    scf.for %parallel_loop3A_144 = %parallel_loop3A_93 to %parallel_loop3A_94 step %parallel_loop3A_95  : i32 {
      %parallel_loop3A_145 = arith.constant 16 : i32
      %parallel_loop3A_146 = arith.muli %parallel_loop3A_144, %parallel_loop3A_145 : i32
      %parallel_loop3A_147 = arith.constant 4 : i32
      %parallel_loop3A_148 = arith.index_cast %parallel_loop3A_147 : i32 to index
      %parallel_loop3A_149 = arith.index_cast %parallel_loop3A_146 : i32 to index
      %parallel_loop3A_150 = tpu.vector_load %arg6[%parallel_loop3A_148, %parallel_loop3A_149] {strides = array<i32>} : memref<6x10000xf32, #tpu.memory_space<vmem>>, vector<16xf32>,
      tpu.vector_store %arg6[%parallel_loop3A_148, %parallel_loop3A_149], %broadcast_in_dim3A_81 {strides = array<i32>} : memref<6x10000xf32, #tpu.memory_space<vmem>>, vector<16xf32>,
    } {sc.loop_unroll_factor = 1 : i64, sc.parallel_access}
    %parallel_loop3A_96 = arith.constant 0 : i32
    %parallel_loop3A_97 = arith.constant 625 : i32
    %parallel_loop3A_98 = arith.constant 1 : i32
    scf.for %parallel_loop3A_144 = %parallel_loop3A_96 to %parallel_loop3A_97 step %parallel_loop3A_98  : i32 {
      %parallel_loop3A_145 = arith.constant 16 : i32
      %parallel_loop3A_146 = arith.muli %parallel_loop3A_144, %parallel_loop3A_145 : i32
      %parallel_loop3A_147 = arith.constant 5 : i32
      %parallel_loop3A_148 = arith.index_cast %parallel_loop3A_147 : i32 to index
      %parallel_loop3A_149 = arith.index_cast %parallel_loop3A_146 : i32 to index
      %parallel_loop3A_150 = tpu.vector_load %arg6[%parallel_loop3A_148, %parallel_loop3A_149] {strides = array<i32>} : memref<6x10000xf32, #tpu.memory_space<vmem>>, vector<16xf32>,
      tpu.vector_store %arg6[%parallel_loop3A_148, %parallel_loop3A_149], %broadcast_in_dim3A_81 {strides = array<i32>} : memref<6x10000xf32, #tpu.memory_space<vmem>>, vector<16xf32>,
    } {sc.loop_unroll_factor = 1 : i64, sc.parallel_access}
    %scan3A = arith.constant 0 : i32
    %scan3A_99 = arith.constant 50 : i32
    %scan3A_100 = arith.addi %scan3A, %scan3A_99 : i32
    %scan3A_101 = arith.constant 1 : i32
    scf.for %scan3A_144 = %scan3A to %scan3A_100 step %scan3A_101  : i32 {
      %mul3A_145 = arith.constant 2 : i32
      %mul3A_146 = arith.muli %scan3A_144, %mul3A_145 : i32
      %add3A_147 = arith.constant 0 : i32
      %add3A_148 = arith.addi %add3A_147, %mul3A_146 : i32
      %add3A_149 = arith.constant 0 : i32
      %add3A_150 = arith.addi %add3A_148, %add3A_149 : i32
      %dma_wait3A_151 = arith.constant 0 : i32
      %dma_wait3A_152 = arith.constant 0 : i32
      %dma_wait3A_153 = arith.constant 0 : i32
      %dma_wait3A_154 = arith.constant 0 : i32
      %dma_wait3A_155 = arith.constant 0 : i32
      %dma_wait3A_156 = tpu.memref_slice %arg7[%dma_wait3A_152, %dma_wait3A_154, %dma_wait3A_155] : memref<2x3x1600xi32, #tpu.memory_space<vmem>> -> memref<1x3x1600xi32, #tpu.memory_space<vmem>>
      %dma_wait3A_157 = tpu.memref_squeeze %dma_wait3A_156 : memref<1x3x1600xi32, #tpu.memory_space<vmem>> -> memref<3x1600xi32, #tpu.memory_space<vmem>>
      %dma_wait3A_158 = arith.constant 0 : i32
      %dma_wait3A_159 = arith.constant 0 : i32
      %dma_wait3A_160 = tpu.memref_slice %arg2[%dma_wait3A_151, %dma_wait3A_158, %dma_wait3A_159] : memref<200x3x1600xi32, #tpu.memory_space<hbm>> -> memref<1x3x1600xi32, #tpu.memory_space<hbm>>
      %dma_wait3A_161 = tpu.memref_squeeze %dma_wait3A_160 : memref<1x3x1600xi32, #tpu.memory_space<hbm>> -> memref<3x1600xi32, #tpu.memory_space<hbm>>
      %dma_wait3A_162 = tpu.memref_slice %arg8[%dma_wait3A_153] : memref<2x!tpu.dma_semaphore, #tpu.memory_space<semaphore_mem>> -> memref<1x!tpu.dma_semaphore, #tpu.memory_space<semaphore_mem>>
      %dma_wait3A_163 = tpu.memref_squeeze %dma_wait3A_162 : memref<1x!tpu.dma_semaphore, #tpu.memory_space<semaphore_mem>> -> memref<!tpu.dma_semaphore, #tpu.memory_space<semaphore_mem>>
      %dma_wait3A_164 = arith.constant 0 : i32
      %dma_wait3A_165 = arith.constant 0 : i32
      %dma_wait3A_166 = tpu.memref_slice %arg7[%dma_wait3A_152, %dma_wait3A_164, %dma_wait3A_165] : memref<2x3x1600xi32, #tpu.memory_space<vmem>> -> memref<1x3x1600xi32, #tpu.memory_space<vmem>>
      %dma_wait3A_167 = tpu.memref_squeeze %dma_wait3A_166 : memref<1x3x1600xi32, #tpu.memory_space<vmem>> -> memref<3x1600xi32, #tpu.memory_space<vmem>>
      %dma_wait3A_168 = arith.constant 0 : i32
      %dma_wait3A_169 = arith.constant 0 : i32
      %dma_wait3A_170 = tpu.memref_slice %arg2[%dma_wait3A_151, %dma_wait3A_168, %dma_wait3A_169] : memref<200x3x1600xi32, #tpu.memory_space<hbm>> -> memref<1x3x1600xi32, #tpu.memory_space<hbm>>
      %dma_wait3A_171 = tpu.memref_squeeze %dma_wait3A_170 : memref<1x3x1600xi32, #tpu.memory_space<hbm>> -> memref<3x1600xi32, #tpu.memory_space<hbm>>
      tpu.wait_dma2 semaphore(%dma_wait3A_163 : memref<!tpu.dma_semaphore, #tpu.memory_space<semaphore_mem>>) src(%dma_wait3A_171 : memref<3x1600xi32, #tpu.memory_space<hbm>>) dst(%dma_wait3A_167 : memref<3x1600xi32, #tpu.memory_space<vmem>>)
      %parallel_loop3A_172 = arith.constant 0 : i32
      %parallel_loop3A_173 = arith.constant 100 : i32
      %parallel_loop3A_174 = arith.constant 1 : i32
      scf.for %parallel_loop3A_251 = %parallel_loop3A_172 to %parallel_loop3A_173 step %parallel_loop3A_174  : i32 {
        %parallel_loop3A_252 = arith.constant 16 : i32
        %parallel_loop3A_253 = arith.muli %parallel_loop3A_251, %parallel_loop3A_252 : i32
        %parallel_loop3A_254 = tpu.iota {dimensions = array<i32: 0>} : vector<16xi32>
        %parallel_loop3A_255 = vector.broadcast %parallel_loop3A_253 : i32 to vector<16xi32>
        %parallel_loop3A_256 = arith.addi %parallel_loop3A_254, %parallel_loop3A_255 : vector<16xi32>
        %parallel_loop3A_257 = arith.constant 0 : i32
        %parallel_loop3A_258 = arith.constant 2 : i32
        %parallel_loop3A_259 = arith.index_cast %parallel_loop3A_257 : i32 to index
        %parallel_loop3A_260 = arith.index_cast %parallel_loop3A_258 : i32 to index
        %parallel_loop3A_261 = arith.index_cast %parallel_loop3A_253 : i32 to index
        %parallel_loop3A_262 = tpu.vector_load %arg7[%parallel_loop3A_259, %parallel_loop3A_260, %parallel_loop3A_261] {strides = array<i32>} : memref<2x3x1600xi32, #tpu.memory_space<vmem>>, vector<16xi32>,
        %parallel_loop3A_263 = vector.bitcast %parallel_loop3A_262 : vector<16xi32> to vector<16xf32>
        %parallel_loop3A_264 = arith.constant 0 : i32
        %parallel_loop3A_265 = arith.constant 0 : i32
        %parallel_loop3A_266 = tpu.memref_slice %arg5[%parallel_loop3A_264, %parallel_loop3A_265] : memref<6x10000xf32, #tpu.memory_space<vmem>> -> memref<1x10000xf32, #tpu.memory_space<vmem>>
        %parallel_loop3A_267 = tpu.memref_squeeze %parallel_loop3A_266 : memref<1x10000xf32, #tpu.memory_space<vmem>> -> memref<10000xf32, #tpu.memory_space<vmem>>
        %parallel_loop3A_268 = tpu.vector_load_idx %parallel_loop3A_267[%parallel_loop3A_256] : memref<10000xf32, #tpu.memory_space<vmem>>[vector<16xi32>], vector<16xf32>,
        %parallel_loop3A_269 = arith.mulf %parallel_loop3A_268, %parallel_loop3A_263 : vector<16xf32>
        %parallel_loop3A_270 = arith.constant 0 : i32
        %parallel_loop3A_271 = arith.constant 0 : i32
        %parallel_loop3A_272 = tpu.memref_slice %arg6[%parallel_loop3A_270, %parallel_loop3A_271] : memref<6x10000xf32, #tpu.memory_space<vmem>> -> memref<1x10000xf32, #tpu.memory_space<vmem>>
        %parallel_loop3A_273 = tpu.memref_squeeze %parallel_loop3A_272 : memref<1x10000xf32, #tpu.memory_space<vmem>> -> memref<10000xf32, #tpu.memory_space<vmem>>
        tpu.vector_store_idx %parallel_loop3A_273[%parallel_loop3A_256], %parallel_loop3A_269 {add = true} : memref<10000xf32, #tpu.memory_space<vmem>>[vector<16xi32>], vector<16xf32>,
        %parallel_loop3A_274 = arith.constant 1 : i32
        %parallel_loop3A_275 = arith.constant 0 : i32
        %parallel_loop3A_276 = tpu.memref_slice %arg5[%parallel_loop3A_274, %parallel_loop3A_275] : memref<6x10000xf32, #tpu.memory_space<vmem>> -> memref<1x10000xf32, #tpu.memory_space<vmem>>
        %parallel_loop3A_277 = tpu.memref_squeeze %parallel_loop3A_276 : memref<1x10000xf32, #tpu.memory_space<vmem>> -> memref<10000xf32, #tpu.memory_space<vmem>>
        %parallel_loop3A_278 = tpu.vector_load_idx %parallel_loop3A_277[%parallel_loop3A_256] : memref<10000xf32, #tpu.memory_space<vmem>>[vector<16xi32>], vector<16xf32>,
        %parallel_loop3A_279 = arith.mulf %parallel_loop3A_278, %parallel_loop3A_263 : vector<16xf32>
        %parallel_loop3A_280 = arith.constant 1 : i32
        %parallel_loop3A_281 = arith.constant 0 : i32
        %parallel_loop3A_282 = tpu.memref_slice %arg6[%parallel_loop3A_280, %parallel_loop3A_281] : memref<6x10000xf32, #tpu.memory_space<vmem>> -> memref<1x10000xf32, #tpu.memory_space<vmem>>
        %parallel_loop3A_283 = tpu.memref_squeeze %parallel_loop3A_282 : memref<1x10000xf32, #tpu.memory_space<vmem>> -> memref<10000xf32, #tpu.memory_space<vmem>>
        tpu.vector_store_idx %parallel_loop3A_283[%parallel_loop3A_256], %parallel_loop3A_279 {add = true} : memref<10000xf32, #tpu.memory_space<vmem>>[vector<16xi32>], vector<16xf32>,
        %parallel_loop3A_284 = arith.constant 2 : i32
        %parallel_loop3A_285 = arith.constant 0 : i32
        %parallel_loop3A_286 = tpu.memref_slice %arg5[%parallel_loop3A_284, %parallel_loop3A_285] : memref<6x10000xf32, #tpu.memory_space<vmem>> -> memref<1x10000xf32, #tpu.memory_space<vmem>>
        %parallel_loop3A_287 = tpu.memref_squeeze %parallel_loop3A_286 : memref<1x10000xf32, #tpu.memory_space<vmem>> -> memref<10000xf32, #tpu.memory_space<vmem>>
        %parallel_loop3A_288 = tpu.vector_load_idx %parallel_loop3A_287[%parallel_loop3A_256] : memref<10000xf32, #tpu.memory_space<vmem>>[vector<16xi32>], vector<16xf32>,
        %parallel_loop3A_289 = arith.mulf %parallel_loop3A_288, %parallel_loop3A_263 : vector<16xf32>
        %parallel_loop3A_290 = arith.constant 2 : i32
        %parallel_loop3A_291 = arith.constant 0 : i32
        %parallel_loop3A_292 = tpu.memref_slice %arg6[%parallel_loop3A_290, %parallel_loop3A_291] : memref<6x10000xf32, #tpu.memory_space<vmem>> -> memref<1x10000xf32, #tpu.memory_space<vmem>>
        %parallel_loop3A_293 = tpu.memref_squeeze %parallel_loop3A_292 : memref<1x10000xf32, #tpu.memory_space<vmem>> -> memref<10000xf32, #tpu.memory_space<vmem>>
        tpu.vector_store_idx %parallel_loop3A_293[%parallel_loop3A_256], %parallel_loop3A_289 {add = true} : memref<10000xf32, #tpu.memory_space<vmem>>[vector<16xi32>], vector<16xf32>,
        %parallel_loop3A_294 = arith.constant 3 : i32
        %parallel_loop3A_295 = arith.constant 0 : i32
        %parallel_loop3A_296 = tpu.memref_slice %arg5[%parallel_loop3A_294, %parallel_loop3A_295] : memref<6x10000xf32, #tpu.memory_space<vmem>> -> memref<1x10000xf32, #tpu.memory_space<vmem>>
        %parallel_loop3A_297 = tpu.memref_squeeze %parallel_loop3A_296 : memref<1x10000xf32, #tpu.memory_space<vmem>> -> memref<10000xf32, #tpu.memory_space<vmem>>
        %parallel_loop3A_298 = tpu.vector_load_idx %parallel_loop3A_297[%parallel_loop3A_256] : memref<10000xf32, #tpu.memory_space<vmem>>[vector<16xi32>], vector<16xf32>,
        %parallel_loop3A_299 = arith.mulf %parallel_loop3A_298, %parallel_loop3A_263 : vector<16xf32>
        %parallel_loop3A_300 = arith.constant 3 : i32
        %parallel_loop3A_301 = arith.constant 0 : i32
        %parallel_loop3A_302 = tpu.memref_slice %arg6[%parallel_loop3A_300, %parallel_loop3A_301] : memref<6x10000xf32, #tpu.memory_space<vmem>> -> memref<1x10000xf32, #tpu.memory_space<vmem>>
        %parallel_loop3A_303 = tpu.memref_squeeze %parallel_loop3A_302 : memref<1x10000xf32, #tpu.memory_space<vmem>> -> memref<10000xf32, #tpu.memory_space<vmem>>
        tpu.vector_store_idx %parallel_loop3A_303[%parallel_loop3A_256], %parallel_loop3A_299 {add = true} : memref<10000xf32, #tpu.memory_space<vmem>>[vector<16xi32>], vector<16xf32>,
        %parallel_loop3A_304 = arith.constant 4 : i32
        %parallel_loop3A_305 = arith.constant 0 : i32
        %parallel_loop3A_306 = tpu.memref_slice %arg5[%parallel_loop3A_304, %parallel_loop3A_305] : memref<6x10000xf32, #tpu.memory_space<vmem>> -> memref<1x10000xf32, #tpu.memory_space<vmem>>
        %parallel_loop3A_307 = tpu.memref_squeeze %parallel_loop3A_306 : memref<1x10000xf32, #tpu.memory_space<vmem>> -> memref<10000xf32, #tpu.memory_space<vmem>>
        %parallel_loop3A_308 = tpu.vector_load_idx %parallel_loop3A_307[%parallel_loop3A_256] : memref<10000xf32, #tpu.memory_space<vmem>>[vector<16xi32>], vector<16xf32>,
        %parallel_loop3A_309 = arith.mulf %parallel_loop3A_308, %parallel_loop3A_263 : vector<16xf32>
        %parallel_loop3A_310 = arith.constant 4 : i32
        %parallel_loop3A_311 = arith.constant 0 : i32
        %parallel_loop3A_312 = tpu.memref_slice %arg6[%parallel_loop3A_310, %parallel_loop3A_311] : memref<6x10000xf32, #tpu.memory_space<vmem>> -> memref<1x10000xf32, #tpu.memory_space<vmem>>
        %parallel_loop3A_313 = tpu.memref_squeeze %parallel_loop3A_312 : memref<1x10000xf32, #tpu.memory_space<vmem>> -> memref<10000xf32, #tpu.memory_space<vmem>>
        tpu.vector_store_idx %parallel_loop3A_313[%parallel_loop3A_256], %parallel_loop3A_309 {add = true} : memref<10000xf32, #tpu.memory_space<vmem>>[vector<16xi32>], vector<16xf32>,
        %parallel_loop3A_314 = arith.constant 5 : i32
        %parallel_loop3A_315 = arith.constant 0 : i32
        %parallel_loop3A_316 = tpu.memref_slice %arg5[%parallel_loop3A_314, %parallel_loop3A_315] : memref<6x10000xf32, #tpu.memory_space<vmem>> -> memref<1x10000xf32, #tpu.memory_space<vmem>>
        %parallel_loop3A_317 = tpu.memref_squeeze %parallel_loop3A_316 : memref<1x10000xf32, #tpu.memory_space<vmem>> -> memref<10000xf32, #tpu.memory_space<vmem>>
        %parallel_loop3A_318 = tpu.vector_load_idx %parallel_loop3A_317[%parallel_loop3A_256] : memref<10000xf32, #tpu.memory_space<vmem>>[vector<16xi32>], vector<16xf32>,
        %parallel_loop3A_319 = arith.mulf %parallel_loop3A_318, %parallel_loop3A_263 : vector<16xf32>
        %parallel_loop3A_320 = arith.constant 5 : i32
        %parallel_loop3A_321 = arith.constant 0 : i32
        %parallel_loop3A_322 = tpu.memref_slice %arg6[%parallel_loop3A_320, %parallel_loop3A_321] : memref<6x10000xf32, #tpu.memory_space<vmem>> -> memref<1x10000xf32, #tpu.memory_space<vmem>>
        %parallel_loop3A_323 = tpu.memref_squeeze %parallel_loop3A_322 : memref<1x10000xf32, #tpu.memory_space<vmem>> -> memref<10000xf32, #tpu.memory_space<vmem>>
        tpu.vector_store_idx %parallel_loop3A_323[%parallel_loop3A_256], %parallel_loop3A_319 {add = true} : memref<10000xf32, #tpu.memory_space<vmem>>[vector<16xi32>], vector<16xf32>,
      } {sc.loop_unroll_factor = 2 : i64, sc.parallel_access}
      %add3A_175 = arith.constant 2 : i32
      %add3A_176 = arith.addi %add3A_150, %add3A_175 : i32
      %min3A_177 = arith.constant 99 : i32
      %min3A_178 = arith.minsi %add3A_176, %min3A_177 : i32
      %add3A_179 = arith.addi %mul3A_34, %min3A_178 : i32
      %dma_start3A_180 = arith.constant 0 : i32
      %dma_start3A_181 = arith.constant 0 : i32
      %dma_start3A_182 = arith.constant 0 : i32
      %dma_start3A_183 = arith.constant 0 : i32
      %dma_start3A_184 = tpu.memref_slice %arg7[%dma_start3A_180, %dma_start3A_182, %dma_start3A_183] : memref<2x3x1600xi32, #tpu.memory_space<vmem>> -> memref<1x3x1600xi32, #tpu.memory_space<vmem>>
      %dma_start3A_185 = tpu.memref_squeeze %dma_start3A_184 : memref<1x3x1600xi32, #tpu.memory_space<vmem>> -> memref<3x1600xi32, #tpu.memory_space<vmem>>
      %dma_start3A_186 = arith.constant 0 : i32
      %dma_start3A_187 = arith.constant 0 : i32
      %dma_start3A_188 = tpu.memref_slice %arg2[%add3A_179, %dma_start3A_186, %dma_start3A_187] : memref<200x3x1600xi32, #tpu.memory_space<hbm>> -> memref<1x3x1600xi32, #tpu.memory_space<hbm>>
      %dma_start3A_189 = tpu.memref_squeeze %dma_start3A_188 : memref<1x3x1600xi32, #tpu.memory_space<hbm>> -> memref<3x1600xi32, #tpu.memory_space<hbm>>
      %dma_start3A_190 = tpu.memref_slice %arg8[%dma_start3A_181] : memref<2x!tpu.dma_semaphore, #tpu.memory_space<semaphore_mem>> -> memref<1x!tpu.dma_semaphore, #tpu.memory_space<semaphore_mem>>
      %dma_start3A_191 = tpu.memref_squeeze %dma_start3A_190 : memref<1x!tpu.dma_semaphore, #tpu.memory_space<semaphore_mem>> -> memref<!tpu.dma_semaphore, #tpu.memory_space<semaphore_mem>>
      %dma_start3A_192 = arith.constant 0 : i32
      %dma_start3A_193 = arith.constant 0 : i32
      %dma_start3A_194 = tpu.memref_slice %arg7[%dma_start3A_180, %dma_start3A_192, %dma_start3A_193] : memref<2x3x1600xi32, #tpu.memory_space<vmem>> -> memref<1x3x1600xi32, #tpu.memory_space<vmem>>
      %dma_start3A_195 = tpu.memref_squeeze %dma_start3A_194 : memref<1x3x1600xi32, #tpu.memory_space<vmem>> -> memref<3x1600xi32, #tpu.memory_space<vmem>>
      %dma_start3A_196 = arith.constant 0 : i32
      %dma_start3A_197 = arith.constant 0 : i32
      %dma_start3A_198 = tpu.memref_slice %arg2[%add3A_179, %dma_start3A_196, %dma_start3A_197] : memref<200x3x1600xi32, #tpu.memory_space<hbm>> -> memref<1x3x1600xi32, #tpu.memory_space<hbm>>
      %dma_start3A_199 = tpu.memref_squeeze %dma_start3A_198 : memref<1x3x1600xi32, #tpu.memory_space<hbm>> -> memref<3x1600xi32, #tpu.memory_space<hbm>>
      tpu.enqueue_dma source(%dma_start3A_199 : memref<3x1600xi32, #tpu.memory_space<hbm>>) target(%dma_start3A_195 : memref<3x1600xi32, #tpu.memory_space<vmem>>) target_semaphore(%dma_start3A_191 : memref<!tpu.dma_semaphore, #tpu.memory_space<semaphore_mem>>)
      %add3A_200 = arith.constant 1 : i32
      %add3A_201 = arith.addi %add3A_148, %add3A_200 : i32
      %dma_wait3A_202 = arith.constant 0 : i32
      %dma_wait3A_203 = arith.constant 1 : i32
      %dma_wait3A_204 = arith.constant 1 : i32
      %dma_wait3A_205 = arith.constant 0 : i32
      %dma_wait3A_206 = arith.constant 0 : i32
      %dma_wait3A_207 = tpu.memref_slice %arg7[%dma_wait3A_203, %dma_wait3A_205, %dma_wait3A_206] : memref<2x3x1600xi32, #tpu.memory_space<vmem>> -> memref<1x3x1600xi32, #tpu.memory_space<vmem>>
      %dma_wait3A_208 = tpu.memref_squeeze %dma_wait3A_207 : memref<1x3x1600xi32, #tpu.memory_space<vmem>> -> memref<3x1600xi32, #tpu.memory_space<vmem>>
      %dma_wait3A_209 = arith.constant 0 : i32
      %dma_wait3A_210 = arith.constant 0 : i32
      %dma_wait3A_211 = tpu.memref_slice %arg2[%dma_wait3A_202, %dma_wait3A_209, %dma_wait3A_210] : memref<200x3x1600xi32, #tpu.memory_space<hbm>> -> memref<1x3x1600xi32, #tpu.memory_space<hbm>>
      %dma_wait3A_212 = tpu.memref_squeeze %dma_wait3A_211 : memref<1x3x1600xi32, #tpu.memory_space<hbm>> -> memref<3x1600xi32, #tpu.memory_space<hbm>>
      %dma_wait3A_213 = tpu.memref_slice %arg8[%dma_wait3A_204] : memref<2x!tpu.dma_semaphore, #tpu.memory_space<semaphore_mem>> -> memref<1x!tpu.dma_semaphore, #tpu.memory_space<semaphore_mem>>
      %dma_wait3A_214 = tpu.memref_squeeze %dma_wait3A_213 : memref<1x!tpu.dma_semaphore, #tpu.memory_space<semaphore_mem>> -> memref<!tpu.dma_semaphore, #tpu.memory_space<semaphore_mem>>
      %dma_wait3A_215 = arith.constant 0 : i32
      %dma_wait3A_216 = arith.constant 0 : i32
      %dma_wait3A_217 = tpu.memref_slice %arg7[%dma_wait3A_203, %dma_wait3A_215, %dma_wait3A_216] : memref<2x3x1600xi32, #tpu.memory_space<vmem>> -> memref<1x3x1600xi32, #tpu.memory_space<vmem>>
      %dma_wait3A_218 = tpu.memref_squeeze %dma_wait3A_217 : memref<1x3x1600xi32, #tpu.memory_space<vmem>> -> memref<3x1600xi32, #tpu.memory_space<vmem>>
      %dma_wait3A_219 = arith.constant 0 : i32
      %dma_wait3A_220 = arith.constant 0 : i32
      %dma_wait3A_221 = tpu.memref_slice %arg2[%dma_wait3A_202, %dma_wait3A_219, %dma_wait3A_220] : memref<200x3x1600xi32, #tpu.memory_space<hbm>> -> memref<1x3x1600xi32, #tpu.memory_space<hbm>>
      %dma_wait3A_222 = tpu.memref_squeeze %dma_wait3A_221 : memref<1x3x1600xi32, #tpu.memory_space<hbm>> -> memref<3x1600xi32, #tpu.memory_space<hbm>>
      tpu.wait_dma2 semaphore(%dma_wait3A_214 : memref<!tpu.dma_semaphore, #tpu.memory_space<semaphore_mem>>) src(%dma_wait3A_222 : memref<3x1600xi32, #tpu.memory_space<hbm>>) dst(%dma_wait3A_218 : memref<3x1600xi32, #tpu.memory_space<vmem>>)
      %parallel_loop3A_223 = arith.constant 0 : i32
      %parallel_loop3A_224 = arith.constant 100 : i32
      %parallel_loop3A_225 = arith.constant 1 : i32
      scf.for %parallel_loop3A_251 = %parallel_loop3A_223 to %parallel_loop3A_224 step %parallel_loop3A_225  : i32 {
        %parallel_loop3A_252 = arith.constant 16 : i32
        %parallel_loop3A_253 = arith.muli %parallel_loop3A_251, %parallel_loop3A_252 : i32
        %parallel_loop3A_254 = tpu.iota {dimensions = array<i32: 0>} : vector<16xi32>
        %parallel_loop3A_255 = vector.broadcast %parallel_loop3A_253 : i32 to vector<16xi32>
        %parallel_loop3A_256 = arith.addi %parallel_loop3A_254, %parallel_loop3A_255 : vector<16xi32>
        %parallel_loop3A_257 = arith.constant 1 : i32
        %parallel_loop3A_258 = arith.constant 2 : i32
        %parallel_loop3A_259 = arith.index_cast %parallel_loop3A_257 : i32 to index
        %parallel_loop3A_260 = arith.index_cast %parallel_loop3A_258 : i32 to index
        %parallel_loop3A_261 = arith.index_cast %parallel_loop3A_253 : i32 to index
        %parallel_loop3A_262 = tpu.vector_load %arg7[%parallel_loop3A_259, %parallel_loop3A_260, %parallel_loop3A_261] {strides = array<i32>} : memref<2x3x1600xi32, #tpu.memory_space<vmem>>, vector<16xi32>,
        %parallel_loop3A_263 = vector.bitcast %parallel_loop3A_262 : vector<16xi32> to vector<16xf32>
        %parallel_loop3A_264 = arith.constant 0 : i32
        %parallel_loop3A_265 = arith.constant 0 : i32
        %parallel_loop3A_266 = tpu.memref_slice %arg5[%parallel_loop3A_264, %parallel_loop3A_265] : memref<6x10000xf32, #tpu.memory_space<vmem>> -> memref<1x10000xf32, #tpu.memory_space<vmem>>
        %parallel_loop3A_267 = tpu.memref_squeeze %parallel_loop3A_266 : memref<1x10000xf32, #tpu.memory_space<vmem>> -> memref<10000xf32, #tpu.memory_space<vmem>>
        %parallel_loop3A_268 = tpu.vector_load_idx %parallel_loop3A_267[%parallel_loop3A_256] : memref<10000xf32, #tpu.memory_space<vmem>>[vector<16xi32>], vector<16xf32>,
        %parallel_loop3A_269 = arith.mulf %parallel_loop3A_268, %parallel_loop3A_263 : vector<16xf32>
        %parallel_loop3A_270 = arith.constant 0 : i32
        %parallel_loop3A_271 = arith.constant 0 : i32
        %parallel_loop3A_272 = tpu.memref_slice %arg6[%parallel_loop3A_270, %parallel_loop3A_271] : memref<6x10000xf32, #tpu.memory_space<vmem>> -> memref<1x10000xf32, #tpu.memory_space<vmem>>
        %parallel_loop3A_273 = tpu.memref_squeeze %parallel_loop3A_272 : memref<1x10000xf32, #tpu.memory_space<vmem>> -> memref<10000xf32, #tpu.memory_space<vmem>>
        tpu.vector_store_idx %parallel_loop3A_273[%parallel_loop3A_256], %parallel_loop3A_269 {add = true} : memref<10000xf32, #tpu.memory_space<vmem>>[vector<16xi32>], vector<16xf32>,
        %parallel_loop3A_274 = arith.constant 1 : i32
        %parallel_loop3A_275 = arith.constant 0 : i32
        %parallel_loop3A_276 = tpu.memref_slice %arg5[%parallel_loop3A_274, %parallel_loop3A_275] : memref<6x10000xf32, #tpu.memory_space<vmem>> -> memref<1x10000xf32, #tpu.memory_space<vmem>>
        %parallel_loop3A_277 = tpu.memref_squeeze %parallel_loop3A_276 : memref<1x10000xf32, #tpu.memory_space<vmem>> -> memref<10000xf32, #tpu.memory_space<vmem>>
        %parallel_loop3A_278 = tpu.vector_load_idx %parallel_loop3A_277[%parallel_loop3A_256] : memref<10000xf32, #tpu.memory_space<vmem>>[vector<16xi32>], vector<16xf32>,
        %parallel_loop3A_279 = arith.mulf %parallel_loop3A_278, %parallel_loop3A_263 : vector<16xf32>
        %parallel_loop3A_280 = arith.constant 1 : i32
        %parallel_loop3A_281 = arith.constant 0 : i32
        %parallel_loop3A_282 = tpu.memref_slice %arg6[%parallel_loop3A_280, %parallel_loop3A_281] : memref<6x10000xf32, #tpu.memory_space<vmem>> -> memref<1x10000xf32, #tpu.memory_space<vmem>>
        %parallel_loop3A_283 = tpu.memref_squeeze %parallel_loop3A_282 : memref<1x10000xf32, #tpu.memory_space<vmem>> -> memref<10000xf32, #tpu.memory_space<vmem>>
        tpu.vector_store_idx %parallel_loop3A_283[%parallel_loop3A_256], %parallel_loop3A_279 {add = true} : memref<10000xf32, #tpu.memory_space<vmem>>[vector<16xi32>], vector<16xf32>,
        %parallel_loop3A_284 = arith.constant 2 : i32
        %parallel_loop3A_285 = arith.constant 0 : i32
        %parallel_loop3A_286 = tpu.memref_slice %arg5[%parallel_loop3A_284, %parallel_loop3A_285] : memref<6x10000xf32, #tpu.memory_space<vmem>> -> memref<1x10000xf32, #tpu.memory_space<vmem>>
        %parallel_loop3A_287 = tpu.memref_squeeze %parallel_loop3A_286 : memref<1x10000xf32, #tpu.memory_space<vmem>> -> memref<10000xf32, #tpu.memory_space<vmem>>
        %parallel_loop3A_288 = tpu.vector_load_idx %parallel_loop3A_287[%parallel_loop3A_256] : memref<10000xf32, #tpu.memory_space<vmem>>[vector<16xi32>], vector<16xf32>,
        %parallel_loop3A_289 = arith.mulf %parallel_loop3A_288, %parallel_loop3A_263 : vector<16xf32>
        %parallel_loop3A_290 = arith.constant 2 : i32
        %parallel_loop3A_291 = arith.constant 0 : i32
        %parallel_loop3A_292 = tpu.memref_slice %arg6[%parallel_loop3A_290, %parallel_loop3A_291] : memref<6x10000xf32, #tpu.memory_space<vmem>> -> memref<1x10000xf32, #tpu.memory_space<vmem>>
        %parallel_loop3A_293 = tpu.memref_squeeze %parallel_loop3A_292 : memref<1x10000xf32, #tpu.memory_space<vmem>> -> memref<10000xf32, #tpu.memory_space<vmem>>
        tpu.vector_store_idx %parallel_loop3A_293[%parallel_loop3A_256], %parallel_loop3A_289 {add = true} : memref<10000xf32, #tpu.memory_space<vmem>>[vector<16xi32>], vector<16xf32>,
        %parallel_loop3A_294 = arith.constant 3 : i32
        %parallel_loop3A_295 = arith.constant 0 : i32
        %parallel_loop3A_296 = tpu.memref_slice %arg5[%parallel_loop3A_294, %parallel_loop3A_295] : memref<6x10000xf32, #tpu.memory_space<vmem>> -> memref<1x10000xf32, #tpu.memory_space<vmem>>
        %parallel_loop3A_297 = tpu.memref_squeeze %parallel_loop3A_296 : memref<1x10000xf32, #tpu.memory_space<vmem>> -> memref<10000xf32, #tpu.memory_space<vmem>>
        %parallel_loop3A_298 = tpu.vector_load_idx %parallel_loop3A_297[%parallel_loop3A_256] : memref<10000xf32, #tpu.memory_space<vmem>>[vector<16xi32>], vector<16xf32>,
        %parallel_loop3A_299 = arith.mulf %parallel_loop3A_298, %parallel_loop3A_263 : vector<16xf32>
        %parallel_loop3A_300 = arith.constant 3 : i32
        %parallel_loop3A_301 = arith.constant 0 : i32
        %parallel_loop3A_302 = tpu.memref_slice %arg6[%parallel_loop3A_300, %parallel_loop3A_301] : memref<6x10000xf32, #tpu.memory_space<vmem>> -> memref<1x10000xf32, #tpu.memory_space<vmem>>
        %parallel_loop3A_303 = tpu.memref_squeeze %parallel_loop3A_302 : memref<1x10000xf32, #tpu.memory_space<vmem>> -> memref<10000xf32, #tpu.memory_space<vmem>>
        tpu.vector_store_idx %parallel_loop3A_303[%parallel_loop3A_256], %parallel_loop3A_299 {add = true} : memref<10000xf32, #tpu.memory_space<vmem>>[vector<16xi32>], vector<16xf32>,
        %parallel_loop3A_304 = arith.constant 4 : i32
        %parallel_loop3A_305 = arith.constant 0 : i32
        %parallel_loop3A_306 = tpu.memref_slice %arg5[%parallel_loop3A_304, %parallel_loop3A_305] : memref<6x10000xf32, #tpu.memory_space<vmem>> -> memref<1x10000xf32, #tpu.memory_space<vmem>>
        %parallel_loop3A_307 = tpu.memref_squeeze %parallel_loop3A_306 : memref<1x10000xf32, #tpu.memory_space<vmem>> -> memref<10000xf32, #tpu.memory_space<vmem>>
        %parallel_loop3A_308 = tpu.vector_load_idx %parallel_loop3A_307[%parallel_loop3A_256] : memref<10000xf32, #tpu.memory_space<vmem>>[vector<16xi32>], vector<16xf32>,
        %parallel_loop3A_309 = arith.mulf %parallel_loop3A_308, %parallel_loop3A_263 : vector<16xf32>
        %parallel_loop3A_310 = arith.constant 4 : i32
        %parallel_loop3A_311 = arith.constant 0 : i32
        %parallel_loop3A_312 = tpu.memref_slice %arg6[%parallel_loop3A_310, %parallel_loop3A_311] : memref<6x10000xf32, #tpu.memory_space<vmem>> -> memref<1x10000xf32, #tpu.memory_space<vmem>>
        %parallel_loop3A_313 = tpu.memref_squeeze %parallel_loop3A_312 : memref<1x10000xf32, #tpu.memory_space<vmem>> -> memref<10000xf32, #tpu.memory_space<vmem>>
        tpu.vector_store_idx %parallel_loop3A_313[%parallel_loop3A_256], %parallel_loop3A_309 {add = true} : memref<10000xf32, #tpu.memory_space<vmem>>[vector<16xi32>], vector<16xf32>,
        %parallel_loop3A_314 = arith.constant 5 : i32
        %parallel_loop3A_315 = arith.constant 0 : i32
        %parallel_loop3A_316 = tpu.memref_slice %arg5[%parallel_loop3A_314, %parallel_loop3A_315] : memref<6x10000xf32, #tpu.memory_space<vmem>> -> memref<1x10000xf32, #tpu.memory_space<vmem>>
        %parallel_loop3A_317 = tpu.memref_squeeze %parallel_loop3A_316 : memref<1x10000xf32, #tpu.memory_space<vmem>> -> memref<10000xf32, #tpu.memory_space<vmem>>
        %parallel_loop3A_318 = tpu.vector_load_idx %parallel_loop3A_317[%parallel_loop3A_256] : memref<10000xf32, #tpu.memory_space<vmem>>[vector<16xi32>], vector<16xf32>,
        %parallel_loop3A_319 = arith.mulf %parallel_loop3A_318, %parallel_loop3A_263 : vector<16xf32>
        %parallel_loop3A_320 = arith.constant 5 : i32
        %parallel_loop3A_321 = arith.constant 0 : i32
        %parallel_loop3A_322 = tpu.memref_slice %arg6[%parallel_loop3A_320, %parallel_loop3A_321] : memref<6x10000xf32, #tpu.memory_space<vmem>> -> memref<1x10000xf32, #tpu.memory_space<vmem>>
        %parallel_loop3A_323 = tpu.memref_squeeze %parallel_loop3A_322 : memref<1x10000xf32, #tpu.memory_space<vmem>> -> memref<10000xf32, #tpu.memory_space<vmem>>
        tpu.vector_store_idx %parallel_loop3A_323[%parallel_loop3A_256], %parallel_loop3A_319 {add = true} : memref<10000xf32, #tpu.memory_space<vmem>>[vector<16xi32>], vector<16xf32>,
      } {sc.loop_unroll_factor = 2 : i64, sc.parallel_access}
      %add3A_226 = arith.constant 2 : i32
      %add3A_227 = arith.addi %add3A_201, %add3A_226 : i32
      %min3A_228 = arith.constant 99 : i32
      %min3A_229 = arith.minsi %add3A_227, %min3A_228 : i32
      %add3A_230 = arith.addi %mul3A_34, %min3A_229 : i32
      %dma_start3A_231 = arith.constant 1 : i32
      %dma_start3A_232 = arith.constant 1 : i32
      %dma_start3A_233 = arith.constant 0 : i32
      %dma_start3A_234 = arith.constant 0 : i32
      %dma_start3A_235 = tpu.memref_slice %arg7[%dma_start3A_231, %dma_start3A_233, %dma_start3A_234] : memref<2x3x1600xi32, #tpu.memory_space<vmem>> -> memref<1x3x1600xi32, #tpu.memory_space<vmem>>
      %dma_start3A_236 = tpu.memref_squeeze %dma_start3A_235 : memref<1x3x1600xi32, #tpu.memory_space<vmem>> -> memref<3x1600xi32, #tpu.memory_space<vmem>>
      %dma_start3A_237 = arith.constant 0 : i32
      %dma_start3A_238 = arith.constant 0 : i32
      %dma_start3A_239 = tpu.memref_slice %arg2[%add3A_230, %dma_start3A_237, %dma_start3A_238] : memref<200x3x1600xi32, #tpu.memory_space<hbm>> -> memref<1x3x1600xi32, #tpu.memory_space<hbm>>
      %dma_start3A_240 = tpu.memref_squeeze %dma_start3A_239 : memref<1x3x1600xi32, #tpu.memory_space<hbm>> -> memref<3x1600xi32, #tpu.memory_space<hbm>>
      %dma_start3A_241 = tpu.memref_slice %arg8[%dma_start3A_232] : memref<2x!tpu.dma_semaphore, #tpu.memory_space<semaphore_mem>> -> memref<1x!tpu.dma_semaphore, #tpu.memory_space<semaphore_mem>>
      %dma_start3A_242 = tpu.memref_squeeze %dma_start3A_241 : memref<1x!tpu.dma_semaphore, #tpu.memory_space<semaphore_mem>> -> memref<!tpu.dma_semaphore, #tpu.memory_space<semaphore_mem>>
      %dma_start3A_243 = arith.constant 0 : i32
      %dma_start3A_244 = arith.constant 0 : i32
      %dma_start3A_245 = tpu.memref_slice %arg7[%dma_start3A_231, %dma_start3A_243, %dma_start3A_244] : memref<2x3x1600xi32, #tpu.memory_space<vmem>> -> memref<1x3x1600xi32, #tpu.memory_space<vmem>>
      %dma_start3A_246 = tpu.memref_squeeze %dma_start3A_245 : memref<1x3x1600xi32, #tpu.memory_space<vmem>> -> memref<3x1600xi32, #tpu.memory_space<vmem>>
      %dma_start3A_247 = arith.constant 0 : i32
      %dma_start3A_248 = arith.constant 0 : i32
      %dma_start3A_249 = tpu.memref_slice %arg2[%add3A_230, %dma_start3A_247, %dma_start3A_248] : memref<200x3x1600xi32, #tpu.memory_space<hbm>> -> memref<1x3x1600xi32, #tpu.memory_space<hbm>>
      %dma_start3A_250 = tpu.memref_squeeze %dma_start3A_249 : memref<1x3x1600xi32, #tpu.memory_space<hbm>> -> memref<3x1600xi32, #tpu.memory_space<hbm>>
      tpu.enqueue_dma source(%dma_start3A_250 : memref<3x1600xi32, #tpu.memory_space<hbm>>) target(%dma_start3A_246 : memref<3x1600xi32, #tpu.memory_space<vmem>>) target_semaphore(%dma_start3A_242 : memref<!tpu.dma_semaphore, #tpu.memory_space<semaphore_mem>>)
    }
    %scan3A_102 = arith.constant 50 : i32
    %dma_wait3A = arith.constant 0 : i32
    %dma_wait3A_103 = arith.constant 0 : i32
    %dma_wait3A_104 = arith.constant 0 : i32
    %dma_wait3A_105 = arith.constant 0 : i32
    %dma_wait3A_106 = arith.constant 0 : i32
    %dma_wait3A_107 = tpu.memref_slice %arg7[%dma_wait3A_103, %dma_wait3A_105, %dma_wait3A_106] : memref<2x3x1600xi32, #tpu.memory_space<vmem>> -> memref<1x3x1600xi32, #tpu.memory_space<vmem>>
    %dma_wait3A_108 = tpu.memref_squeeze %dma_wait3A_107 : memref<1x3x1600xi32, #tpu.memory_space<vmem>> -> memref<3x1600xi32, #tpu.memory_space<vmem>>
    %dma_wait3A_109 = arith.constant 0 : i32
    %dma_wait3A_110 = arith.constant 0 : i32
    %dma_wait3A_111 = tpu.memref_slice %arg2[%dma_wait3A, %dma_wait3A_109, %dma_wait3A_110] : memref<200x3x1600xi32, #tpu.memory_space<hbm>> -> memref<1x3x1600xi32, #tpu.memory_space<hbm>>
    %dma_wait3A_112 = tpu.memref_squeeze %dma_wait3A_111 : memref<1x3x1600xi32, #tpu.memory_space<hbm>> -> memref<3x1600xi32, #tpu.memory_space<hbm>>
    %dma_wait3A_113 = tpu.memref_slice %arg8[%dma_wait3A_104] : memref<2x!tpu.dma_semaphore, #tpu.memory_space<semaphore_mem>> -> memref<1x!tpu.dma_semaphore, #tpu.memory_space<semaphore_mem>>
    %dma_wait3A_114 = tpu.memref_squeeze %dma_wait3A_113 : memref<1x!tpu.dma_semaphore, #tpu.memory_space<semaphore_mem>> -> memref<!tpu.dma_semaphore, #tpu.memory_space<semaphore_mem>>
    %dma_wait3A_115 = arith.constant 0 : i32
    %dma_wait3A_116 = arith.constant 0 : i32
    %dma_wait3A_117 = tpu.memref_slice %arg7[%dma_wait3A_103, %dma_wait3A_115, %dma_wait3A_116] : memref<2x3x1600xi32, #tpu.memory_space<vmem>> -> memref<1x3x1600xi32, #tpu.memory_space<vmem>>
    %dma_wait3A_118 = tpu.memref_squeeze %dma_wait3A_117 : memref<1x3x1600xi32, #tpu.memory_space<vmem>> -> memref<3x1600xi32, #tpu.memory_space<vmem>>
    %dma_wait3A_119 = arith.constant 0 : i32
    %dma_wait3A_120 = arith.constant 0 : i32
    %dma_wait3A_121 = tpu.memref_slice %arg2[%dma_wait3A, %dma_wait3A_119, %dma_wait3A_120] : memref<200x3x1600xi32, #tpu.memory_space<hbm>> -> memref<1x3x1600xi32, #tpu.memory_space<hbm>>
    %dma_wait3A_122 = tpu.memref_squeeze %dma_wait3A_121 : memref<1x3x1600xi32, #tpu.memory_space<hbm>> -> memref<3x1600xi32, #tpu.memory_space<hbm>>
    tpu.wait_dma2 semaphore(%dma_wait3A_114 : memref<!tpu.dma_semaphore, #tpu.memory_space<semaphore_mem>>) src(%dma_wait3A_122 : memref<3x1600xi32, #tpu.memory_space<hbm>>) dst(%dma_wait3A_118 : memref<3x1600xi32, #tpu.memory_space<vmem>>)
    %dma_wait3A_123 = arith.constant 0 : i32
    %dma_wait3A_124 = arith.constant 1 : i32
    %dma_wait3A_125 = arith.constant 1 : i32
    %dma_wait3A_126 = arith.constant 0 : i32
    %dma_wait3A_127 = arith.constant 0 : i32
    %dma_wait3A_128 = tpu.memref_slice %arg7[%dma_wait3A_124, %dma_wait3A_126, %dma_wait3A_127] : memref<2x3x1600xi32, #tpu.memory_space<vmem>> -> memref<1x3x1600xi32, #tpu.memory_space<vmem>>
    %dma_wait3A_129 = tpu.memref_squeeze %dma_wait3A_128 : memref<1x3x1600xi32, #tpu.memory_space<vmem>> -> memref<3x1600xi32, #tpu.memory_space<vmem>>
    %dma_wait3A_130 = arith.constant 0 : i32
    %dma_wait3A_131 = arith.constant 0 : i32
    %dma_wait3A_132 = tpu.memref_slice %arg2[%dma_wait3A_123, %dma_wait3A_130, %dma_wait3A_131] : memref<200x3x1600xi32, #tpu.memory_space<hbm>> -> memref<1x3x1600xi32, #tpu.memory_space<hbm>>
    %dma_wait3A_133 = tpu.memref_squeeze %dma_wait3A_132 : memref<1x3x1600xi32, #tpu.memory_space<hbm>> -> memref<3x1600xi32, #tpu.memory_space<hbm>>
    %dma_wait3A_134 = tpu.memref_slice %arg8[%dma_wait3A_125] : memref<2x!tpu.dma_semaphore, #tpu.memory_space<semaphore_mem>> -> memref<1x!tpu.dma_semaphore, #tpu.memory_space<semaphore_mem>>
    %dma_wait3A_135 = tpu.memref_squeeze %dma_wait3A_134 : memref<1x!tpu.dma_semaphore, #tpu.memory_space<semaphore_mem>> -> memref<!tpu.dma_semaphore, #tpu.memory_space<semaphore_mem>>
    %dma_wait3A_136 = arith.constant 0 : i32
    %dma_wait3A_137 = arith.constant 0 : i32
    %dma_wait3A_138 = tpu.memref_slice %arg7[%dma_wait3A_124, %dma_wait3A_136, %dma_wait3A_137] : memref<2x3x1600xi32, #tpu.memory_space<vmem>> -> memref<1x3x1600xi32, #tpu.memory_space<vmem>>
    %dma_wait3A_139 = tpu.memref_squeeze %dma_wait3A_138 : memref<1x3x1600xi32, #tpu.memory_space<vmem>> -> memref<3x1600xi32, #tpu.memory_space<vmem>>
    %dma_wait3A_140 = arith.constant 0 : i32
    %dma_wait3A_141 = arith.constant 0 : i32
    %dma_wait3A_142 = tpu.memref_slice %arg2[%dma_wait3A_123, %dma_wait3A_140, %dma_wait3A_141] : memref<200x3x1600xi32, #tpu.memory_space<hbm>> -> memref<1x3x1600xi32, #tpu.memory_space<hbm>>
    %dma_wait3A_143 = tpu.memref_squeeze %dma_wait3A_142 : memref<1x3x1600xi32, #tpu.memory_space<hbm>> -> memref<3x1600xi32, #tpu.memory_space<hbm>>
    tpu.wait_dma2 semaphore(%dma_wait3A_135 : memref<!tpu.dma_semaphore, #tpu.memory_space<semaphore_mem>>) src(%dma_wait3A_143 : memref<3x1600xi32, #tpu.memory_space<hbm>>) dst(%dma_wait3A_139 : memref<3x1600xi32, #tpu.memory_space<vmem>>)
    "tpu.region"() ({
      %run_scoped3A = tpu.sem_alloc : memref<!tpu.dma_semaphore, #tpu.memory_space<semaphore_mem>>
      %dma_start3A_144 = arith.constant 0 : i32
      %dma_start3A_145 = tpu.memref_slice %arg4[%select_n3A_30, %mul3A_32, %dma_start3A_144] : memref<2x96x10000xf32, #tpu.memory_space<hbm>> -> memref<1x6x10000xf32, #tpu.memory_space<hbm>>
      %dma_start3A_146 = tpu.memref_squeeze %dma_start3A_145 : memref<1x6x10000xf32, #tpu.memory_space<hbm>> -> memref<6x10000xf32, #tpu.memory_space<hbm>>
      %dma_start3A_147 = arith.constant 0 : i32
      %dma_start3A_148 = tpu.memref_slice %arg4[%select_n3A_30, %mul3A_32, %dma_start3A_147] : memref<2x96x10000xf32, #tpu.memory_space<hbm>> -> memref<1x6x10000xf32, #tpu.memory_space<hbm>>
      %dma_start3A_149 = tpu.memref_squeeze %dma_start3A_148 : memref<1x6x10000xf32, #tpu.memory_space<hbm>> -> memref<6x10000xf32, #tpu.memory_space<hbm>>
      tpu.enqueue_dma source(%arg6 : memref<6x10000xf32, #tpu.memory_space<vmem>>) target(%dma_start3A_149 : memref<6x10000xf32, #tpu.memory_space<hbm>>) target_semaphore(%run_scoped3A : memref<!tpu.dma_semaphore, #tpu.memory_space<semaphore_mem>>)
      %dma_wait3A_150 = arith.constant 0 : i32
      %dma_wait3A_151 = tpu.memref_slice %arg4[%select_n3A_30, %mul3A_32, %dma_wait3A_150] : memref<2x96x10000xf32, #tpu.memory_space<hbm>> -> memref<1x6x10000xf32, #tpu.memory_space<hbm>>
      %dma_wait3A_152 = tpu.memref_squeeze %dma_wait3A_151 : memref<1x6x10000xf32, #tpu.memory_space<hbm>> -> memref<6x10000xf32, #tpu.memory_space<hbm>>
      %dma_wait3A_153 = arith.constant 0 : i32
      %dma_wait3A_154 = tpu.memref_slice %arg4[%select_n3A_30, %mul3A_32, %dma_wait3A_153] : memref<2x96x10000xf32, #tpu.memory_space<hbm>> -> memref<1x6x10000xf32, #tpu.memory_space<hbm>>
      %dma_wait3A_155 = tpu.memref_squeeze %dma_wait3A_154 : memref<1x6x10000xf32, #tpu.memory_space<hbm>> -> memref<6x10000xf32, #tpu.memory_space<hbm>>
      tpu.wait_dma2 semaphore(%run_scoped3A : memref<!tpu.dma_semaphore, #tpu.memory_space<semaphore_mem>>) src(%arg6 : memref<6x10000xf32, #tpu.memory_space<vmem>>) dst(%dma_wait3A_155 : memref<6x10000xf32, #tpu.memory_space<hbm>>)
      tpu.yield
    }) : () -> ()
    return
  }
}

module attributes {stable_mosaic.version = 14 : i64} {
  func.func @_xwn_body(%arg0: memref<10000x128xf32, #tpu.memory_space<vmem>>, %arg1: memref<32x10000xf32, #tpu.memory_space<vmem>>, %arg2: memref<96x128xf32, #tpu.memory_space<vmem>>, %arg3: memref<96x10000xf32, #tpu.memory_space<vmem>>, %arg4: memref<1x10000xf32, #tpu.memory_space<vmem>>) attributes {dimension_semantics = [], scalar_prefetch = 0 : i64, scratch_operands = 0 : i64, tpu.core_type = #tpu.core_type<tc>} {
    %get3A = arith.constant 0 : index
    %get3A_0 = arith.constant 0 : index
    %get3A_1 = vector.load %arg1[%get3A, %get3A_0] : memref<32x10000xf32, #tpu.memory_space<vmem>>, vector<32x10000xf32>
    %reduce_sum3A = arith.constant dense<0.000000e+00> : vector<10000xf32>
    %reduce_sum3A_2 = vector.multi_reduction <add>, %get3A_1, %reduce_sum3A [0] : vector<32x10000xf32> to vector<10000xf32>
    %broadcast_in_dim3A = vector.shape_cast %reduce_sum3A_2 : vector<10000xf32> to vector<1x10000xf32>
    %add3A = arith.constant 1.000000e+00 : f32
    %add3A_3 = vector.broadcast %add3A : f32 to vector<1x10000xf32>
    %add3A_4 = arith.addf %broadcast_in_dim3A, %add3A_3 : vector<1x10000xf32>
    %rsqrt3A = math.rsqrt %add3A_4 : vector<1x10000xf32>
    %get3A_5 = arith.constant 0 : index
    %get3A_6 = arith.constant 0 : index
    %get3A_7 = vector.load %arg2[%get3A_5, %get3A_6] : memref<96x128xf32, #tpu.memory_space<vmem>>, vector<96x128xf32>
    %get3A_8 = arith.constant 0 : index
    %get3A_9 = arith.constant 0 : index
    %get3A_10 = vector.load %arg0[%get3A_8, %get3A_9] : memref<10000x128xf32, #tpu.memory_space<vmem>>, vector<10000x128xf32>
    %dot_general3A = arith.constant dense<0.000000e+00> : vector<96x10000xf32>
    %dot_general3A_11 = tpu.matmul %get3A_7, %get3A_10, %dot_general3A {dimension_numbers = #tpu.dot_dimension_numbers<[1], [1], [0], [0], [0, 0, 1, 0], [], []>, transpose_lhs_hint = false} : vector<96x128xf32>, vector<10000x128xf32>, vector<96x10000xf32> -> vector<96x10000xf32>
    %mul3A = vector.broadcast %rsqrt3A : vector<1x10000xf32> to vector<96x10000xf32>
    %mul3A_12 = arith.mulf %dot_general3A_11, %mul3A : vector<96x10000xf32>
    %swap3A = arith.constant 0 : index
    %swap3A_13 = arith.constant 0 : index
    %swap3A_14 = vector.load %arg3[%swap3A, %swap3A_13] : memref<96x10000xf32, #tpu.memory_space<vmem>>, vector<96x10000xf32>
    tpu.vector_store %arg3[%swap3A, %swap3A_13], %mul3A_12 {strides = array<i32>} : memref<96x10000xf32, #tpu.memory_space<vmem>>, vector<96x10000xf32>,
    %swap3A_15 = arith.constant 0 : index
    %swap3A_16 = arith.constant 0 : index
    %swap3A_17 = vector.load %arg4[%swap3A_15, %swap3A_16] : memref<1x10000xf32, #tpu.memory_space<vmem>>, vector<1x10000xf32>
    tpu.vector_store %arg4[%swap3A_15, %swap3A_16], %rsqrt3A {strides = array<i32>} : memref<1x10000xf32, #tpu.memory_space<vmem>>, vector<1x10000xf32>,
    return
  }
}

module attributes {stable_mosaic.version = 14 : i64} {
  func.func @_gates_body(%arg0: memref<2x96x10000xf32, #tpu.memory_space<vmem>>, %arg1: memref<96x10000xf32, #tpu.memory_space<vmem>>, %arg2: memref<1x10000xf32, #tpu.memory_space<vmem>>, %arg3: memref<32x10000xf32, #tpu.memory_space<vmem>>, %arg4: memref<96x1xf32, #tpu.memory_space<vmem>>, %arg5: memref<32x32xf32, #tpu.memory_space<vmem>>, %arg6: memref<32x32xf32, #tpu.memory_space<vmem>>, %arg7: memref<32x1xf32, #tpu.memory_space<vmem>>, %arg8: memref<32x32xf32, #tpu.memory_space<vmem>>, %arg9: memref<32x32xf32, #tpu.memory_space<vmem>>, %arg10: memref<32x1xf32, #tpu.memory_space<vmem>>, %arg11: memref<32x32xf32, #tpu.memory_space<vmem>>, %arg12: memref<32x32xf32, #tpu.memory_space<vmem>>, %arg13: memref<32x1xf32, #tpu.memory_space<vmem>>, %arg14: memref<1x32xf32, #tpu.memory_space<vmem>>, %arg15: memref<1x1xf32, #tpu.memory_space<vmem>>, %arg16: memref<32x10000xf32, #tpu.memory_space<vmem>>, %arg17: memref<1x10000xf32, #tpu.memory_space<vmem>>) attributes {dimension_semantics = [], scalar_prefetch = 0 : i64, scratch_operands = 0 : i64, tpu.core_type = #tpu.core_type<tc>} {
    %get3A = arith.constant 0 : index
    %get3A_0 = arith.constant 0 : index
    %get3A_1 = arith.constant 0 : index
    %get3A_2 = vector.load %arg0[%get3A, %get3A_0, %get3A_1] : memref<2x96x10000xf32, #tpu.memory_space<vmem>>, vector<1x96x10000xf32>
    %get3A_3 = vector.shape_cast %get3A_2 : vector<1x96x10000xf32> to vector<96x10000xf32>
    %get3A_4 = arith.constant 1 : index
    %get3A_5 = arith.constant 0 : index
    %get3A_6 = arith.constant 0 : index
    %get3A_7 = vector.load %arg0[%get3A_4, %get3A_5, %get3A_6] : memref<2x96x10000xf32, #tpu.memory_space<vmem>>, vector<1x96x10000xf32>
    %get3A_8 = vector.shape_cast %get3A_7 : vector<1x96x10000xf32> to vector<96x10000xf32>
    %add3A = arith.addf %get3A_3, %get3A_8 : vector<96x10000xf32>
    %get3A_9 = arith.constant 0 : index
    %get3A_10 = arith.constant 0 : index
    %get3A_11 = vector.load %arg2[%get3A_9, %get3A_10] : memref<1x10000xf32, #tpu.memory_space<vmem>>, vector<1x10000xf32>
    %get3A_12 = arith.constant 0 : index
    %get3A_13 = arith.constant 0 : index
    %get3A_14 = vector.load %arg1[%get3A_12, %get3A_13] : memref<96x10000xf32, #tpu.memory_space<vmem>>, vector<96x10000xf32>
    %add3A_15 = arith.addf %add3A, %get3A_14 : vector<96x10000xf32>
    %mul3A = vector.broadcast %get3A_11 : vector<1x10000xf32> to vector<96x10000xf32>
    %mul3A_16 = arith.mulf %mul3A, %add3A_15 : vector<96x10000xf32>
    %get3A_17 = arith.constant 0 : index
    %get3A_18 = arith.constant 0 : index
    %get3A_19 = vector.load %arg4[%get3A_17, %get3A_18] : memref<96x1xf32, #tpu.memory_space<vmem>>, vector<96x1xf32>
    %add3A_20 = vector.broadcast %get3A_19 : vector<96x1xf32> to vector<96x10000xf32>
    %add3A_21 = arith.addf %mul3A_16, %add3A_20 : vector<96x10000xf32>
    %slice3A = vector.extract_strided_slice %add3A_21 {offsets = [0, 0], sizes = [32, 10000], strides = [1, 1]} : vector<96x10000xf32> to vector<32x10000xf32>
    %slice3A_22 = vector.extract_strided_slice %add3A_21 {offsets = [32, 0], sizes = [32, 10000], strides = [1, 1]} : vector<96x10000xf32> to vector<32x10000xf32>
    %slice3A_23 = vector.extract_strided_slice %add3A_21 {offsets = [64, 0], sizes = [32, 10000], strides = [1, 1]} : vector<96x10000xf32> to vector<32x10000xf32>
    %get3A_24 = arith.constant 0 : index
    %get3A_25 = arith.constant 0 : index
    %get3A_26 = vector.load %arg3[%get3A_24, %get3A_25] : memref<32x10000xf32, #tpu.memory_space<vmem>>, vector<32x10000xf32>
    %get3A_27 = arith.constant 0 : index
    %get3A_28 = arith.constant 0 : index
    %get3A_29 = vector.load %arg5[%get3A_27, %get3A_28] : memref<32x32xf32, #tpu.memory_space<vmem>>, vector<32x32xf32>
    %dot_general3A = arith.constant dense<0.000000e+00> : vector<32x10000xf32>
    %dot_general3A_30 = tpu.matmul %get3A_29, %slice3A, %dot_general3A {dimension_numbers = #tpu.dot_dimension_numbers<[1], [0], [0], [1], [0, 0, 1, 1], [], []>, transpose_lhs_hint = false} : vector<32x32xf32>, vector<32x10000xf32>, vector<32x10000xf32> -> vector<32x10000xf32>
    %get3A_31 = arith.constant 0 : index
    %get3A_32 = arith.constant 0 : index
    %get3A_33 = vector.load %arg6[%get3A_31, %get3A_32] : memref<32x32xf32, #tpu.memory_space<vmem>>, vector<32x32xf32>
    %dot_general3A_34 = arith.constant dense<0.000000e+00> : vector<32x10000xf32>
    %dot_general3A_35 = tpu.matmul %get3A_33, %get3A_26, %dot_general3A_34 {dimension_numbers = #tpu.dot_dimension_numbers<[1], [0], [0], [1], [0, 0, 1, 1], [], []>, transpose_lhs_hint = false} : vector<32x32xf32>, vector<32x10000xf32>, vector<32x10000xf32> -> vector<32x10000xf32>
    %add3A_36 = arith.addf %dot_general3A_30, %dot_general3A_35 : vector<32x10000xf32>
    %get3A_37 = arith.constant 0 : index
    %get3A_38 = arith.constant 0 : index
    %get3A_39 = vector.load %arg7[%get3A_37, %get3A_38] : memref<32x1xf32, #tpu.memory_space<vmem>>, vector<32x1xf32>
    %add3A_40 = vector.broadcast %get3A_39 : vector<32x1xf32> to vector<32x10000xf32>
    %add3A_41 = arith.addf %add3A_36, %add3A_40 : vector<32x10000xf32>
    %logistic3A = arith.negf %add3A_41 : vector<32x10000xf32>
    %logistic3A_42 = math.exp %logistic3A : vector<32x10000xf32>
    %logistic3A_43 = arith.constant 1.000000e+00 : f32
    %logistic3A_44 = vector.broadcast %logistic3A_43 : f32 to vector<32x10000xf32>
    %logistic3A_45 = arith.addf %logistic3A_44, %logistic3A_42 : vector<32x10000xf32>
    %logistic3A_46 = arith.divf %logistic3A_44, %logistic3A_45 : vector<32x10000xf32>
    %get3A_47 = arith.constant 0 : index
    %get3A_48 = arith.constant 0 : index
    %get3A_49 = vector.load %arg8[%get3A_47, %get3A_48] : memref<32x32xf32, #tpu.memory_space<vmem>>, vector<32x32xf32>
    %dot_general3A_50 = arith.constant dense<0.000000e+00> : vector<32x10000xf32>
    %dot_general3A_51 = tpu.matmul %get3A_49, %slice3A_22, %dot_general3A_50 {dimension_numbers = #tpu.dot_dimension_numbers<[1], [0], [0], [1], [0, 0, 1, 1], [], []>, transpose_lhs_hint = false} : vector<32x32xf32>, vector<32x10000xf32>, vector<32x10000xf32> -> vector<32x10000xf32>
    %get3A_52 = arith.constant 0 : index
    %get3A_53 = arith.constant 0 : index
    %get3A_54 = vector.load %arg9[%get3A_52, %get3A_53] : memref<32x32xf32, #tpu.memory_space<vmem>>, vector<32x32xf32>
    %dot_general3A_55 = arith.constant dense<0.000000e+00> : vector<32x10000xf32>
    %dot_general3A_56 = tpu.matmul %get3A_54, %get3A_26, %dot_general3A_55 {dimension_numbers = #tpu.dot_dimension_numbers<[1], [0], [0], [1], [0, 0, 1, 1], [], []>, transpose_lhs_hint = false} : vector<32x32xf32>, vector<32x10000xf32>, vector<32x10000xf32> -> vector<32x10000xf32>
    %add3A_57 = arith.addf %dot_general3A_51, %dot_general3A_56 : vector<32x10000xf32>
    %get3A_58 = arith.constant 0 : index
    %get3A_59 = arith.constant 0 : index
    %get3A_60 = vector.load %arg10[%get3A_58, %get3A_59] : memref<32x1xf32, #tpu.memory_space<vmem>>, vector<32x1xf32>
    %add3A_61 = vector.broadcast %get3A_60 : vector<32x1xf32> to vector<32x10000xf32>
    %add3A_62 = arith.addf %add3A_57, %add3A_61 : vector<32x10000xf32>
    %logistic3A_63 = arith.negf %add3A_62 : vector<32x10000xf32>
    %logistic3A_64 = math.exp %logistic3A_63 : vector<32x10000xf32>
    %logistic3A_65 = arith.constant 1.000000e+00 : f32
    %logistic3A_66 = vector.broadcast %logistic3A_65 : f32 to vector<32x10000xf32>
    %logistic3A_67 = arith.addf %logistic3A_66, %logistic3A_64 : vector<32x10000xf32>
    %logistic3A_68 = arith.divf %logistic3A_66, %logistic3A_67 : vector<32x10000xf32>
    %get3A_69 = arith.constant 0 : index
    %get3A_70 = arith.constant 0 : index
    %get3A_71 = vector.load %arg11[%get3A_69, %get3A_70] : memref<32x32xf32, #tpu.memory_space<vmem>>, vector<32x32xf32>
    %dot_general3A_72 = arith.constant dense<0.000000e+00> : vector<32x10000xf32>
    %dot_general3A_73 = tpu.matmul %get3A_71, %slice3A_23, %dot_general3A_72 {dimension_numbers = #tpu.dot_dimension_numbers<[1], [0], [0], [1], [0, 0, 1, 1], [], []>, transpose_lhs_hint = false} : vector<32x32xf32>, vector<32x10000xf32>, vector<32x10000xf32> -> vector<32x10000xf32>
    %get3A_74 = arith.constant 0 : index
    %get3A_75 = arith.constant 0 : index
    %get3A_76 = vector.load %arg12[%get3A_74, %get3A_75] : memref<32x32xf32, #tpu.memory_space<vmem>>, vector<32x32xf32>
    %mul3A_77 = arith.mulf %get3A_26, %logistic3A_68 : vector<32x10000xf32>
    %dot_general3A_78 = arith.constant dense<0.000000e+00> : vector<32x10000xf32>
    %dot_general3A_79 = tpu.matmul %get3A_76, %mul3A_77, %dot_general3A_78 {dimension_numbers = #tpu.dot_dimension_numbers<[1], [0], [0], [1], [0, 0, 1, 1], [], []>, transpose_lhs_hint = false} : vector<32x32xf32>, vector<32x10000xf32>, vector<32x10000xf32> -> vector<32x10000xf32>
    %add3A_80 = arith.addf %dot_general3A_73, %dot_general3A_79 : vector<32x10000xf32>
    %get3A_81 = arith.constant 0 : index
    %get3A_82 = arith.constant 0 : index
    %get3A_83 = vector.load %arg13[%get3A_81, %get3A_82] : memref<32x1xf32, #tpu.memory_space<vmem>>, vector<32x1xf32>
    %add3A_84 = vector.broadcast %get3A_83 : vector<32x1xf32> to vector<32x10000xf32>
    %add3A_85 = arith.addf %add3A_80, %add3A_84 : vector<32x10000xf32>
    %tanh3A = math.tanh %add3A_85 : vector<32x10000xf32>
    %mul3A_86 = arith.mulf %logistic3A_46, %get3A_26 : vector<32x10000xf32>
    %sub3A = arith.constant 1.000000e+00 : f32
    %sub3A_87 = vector.broadcast %sub3A : f32 to vector<32x10000xf32>
    %sub3A_88 = arith.subf %sub3A_87, %logistic3A_46 : vector<32x10000xf32>
    %mul3A_89 = arith.mulf %sub3A_88, %tanh3A : vector<32x10000xf32>
    %add3A_90 = arith.addf %mul3A_86, %mul3A_89 : vector<32x10000xf32>
    %swap3A = arith.constant 0 : index
    %swap3A_91 = arith.constant 0 : index
    %swap3A_92 = vector.load %arg16[%swap3A, %swap3A_91] : memref<32x10000xf32, #tpu.memory_space<vmem>>, vector<32x10000xf32>
    tpu.vector_store %arg16[%swap3A, %swap3A_91], %add3A_90 {strides = array<i32>} : memref<32x10000xf32, #tpu.memory_space<vmem>>, vector<32x10000xf32>,
    %get3A_93 = arith.constant 0 : index
    %get3A_94 = arith.constant 0 : index
    %get3A_95 = vector.load %arg14[%get3A_93, %get3A_94] : memref<1x32xf32, #tpu.memory_space<vmem>>, vector<1x32xf32>
    %max3A = arith.constant 0.000000e+00 : f32
    %max3A_96 = vector.broadcast %max3A : f32 to vector<32x10000xf32>
    %max3A_97 = arith.maximumf %add3A_90, %max3A_96 : vector<32x10000xf32>
    %dot_general3A_98 = arith.constant dense<0.000000e+00> : vector<1x10000xf32>
    %dot_general3A_99 = tpu.matmul %get3A_95, %max3A_97, %dot_general3A_98 {dimension_numbers = #tpu.dot_dimension_numbers<[1], [0], [0], [1], [0, 0, 1, 1], [], []>, transpose_lhs_hint = false} : vector<1x32xf32>, vector<32x10000xf32>, vector<1x10000xf32> -> vector<1x10000xf32>
    %get3A_100 = arith.constant 0 : index
    %get3A_101 = arith.constant 0 : index
    %get3A_102 = vector.load %arg15[%get3A_100, %get3A_101] : memref<1x1xf32, #tpu.memory_space<vmem>>, vector<1x1xf32>
    %add3A_103 = vector.broadcast %get3A_102 : vector<1x1xf32> to vector<1x10000xf32>
    %add3A_104 = arith.addf %dot_general3A_99, %add3A_103 : vector<1x10000xf32>
    %swap3A_105 = arith.constant 0 : index
    %swap3A_106 = arith.constant 0 : index
    %swap3A_107 = vector.load %arg17[%swap3A_105, %swap3A_106] : memref<1x10000xf32, #tpu.memory_space<vmem>>, vector<1x10000xf32>
    tpu.vector_store %arg17[%swap3A_105, %swap3A_106], %add3A_104 {strides = array<i32>} : memref<1x10000xf32, #tpu.memory_space<vmem>>, vector<1x10000xf32>,
    return
  }
}

</mosaic_0001>

<sc_bundles>
// kernel: kernel.6.cloned.1.call-start
scs
__scs_entry_jumppad:
0x0: {  	(pc) =	sbr.rel $0x88, $3  }
0x1: {  	(tag) =	ssettag $0x0;
	lr =	simm.s32 $0x1  }
0x2: {  	[smem:$0x3F8F] =	sst lr;
	_ =	strace $0xD0000000  }
0x3: {  	_ = 	snop  }
0x4: {  	_ = 	snop  }
0x5: {  	_ = 	snop  }
0x6: {  	_ = 	snop  }
0x7: {  	_ = 	snop  }
__scs_overlays_trampoline_lowered:
0x8: {  	[smem:$0x3F9E] =	sst s0  }
0x9: {  	[smem:$0x3F9F] =	sst s1  }
0xa: {  	[smem:$0x3FA0] =	sst s2  }
0xb: {  	[smem:$0x3FA1] =	sst s3  }
0xc: {  	[smem:$0x3FA2] =	sst s4  }
0xd: {  	[smem:$0x3FA3] =	sst s5  }
0xe: {  	[smem:$0x3FA4] =	sst s6  }
0xf: {  	[smem:$0x3FA5] =	sst s7  }
0x10: {  	[smem:$0x3FA6] =	sst s8  }
0x11: {  	[smem:$0x3FA7] =	sst s9;
	s0 =	simm.s32 @!p0 $0x0  }
0x12: {  	s1 =	sld [smem:$0x3F8D];
	s0 =	simm.s32 @p0 $0x1  }
0x13: {  	[smem:$0x3FA8] =	sst s0;
	s0 =	simm.s32 @!p1 $0x0  }
0x14: {  	s2 =	sld [smem:$0x3F8C];
	s0 =	simm.s32 @p1 $0x1  }
0x15: {  	[smem:$0x3FA9] =	sst s0;
	s0 =	simm.s32 @!p2 $0x0  }
0x16: {  	s3 =	sld [smem:$0x3FDB];
	s0 =	simm.s32 @p2 $0x1  }
0x17: {  	s4 =	simm.s32 $0x1BF5;
	[smem:$0x3FAB] =	sst s0  }
0x18: {  	s0 =	sld [smem:$0x3F8E];
	_ =	swait.ge [sflag:s4], $0x0  }
0x19: {  	s7 =	sld [smem:$0x3F8F]  }
0x1a: {  	s8 =	sadd.s32 $0xFFFFE003, lr  }
0x1b: {  	s9 =	sadd.s32 $0xFFFFFEF7, lr;
	s5 =	simm.s32 $0xFFFFFFFF;
	p2 =	slt.u32 s8, $0xFFFFF086  }
0x1c: {  	p1 =	slt.u32 s9, $0xF7A;
	s5 =	simm.s32 @!p2 $0x0  }
0x1d: {  	s5 =	simm.s32 @p1 $0x1;
	p0 =	seq.s32 s7, s2  }
0x1e: {  	s7 =	smul.u32 @!p0 $0xF7A, s2;
	p2 =	seq.s32 @!p0 s5, $0x0  }
0x1f: {  	s9 =	smul.u32 $0xF7A, s1;
	s8 =	simm.s32 @!p0 $0x1BF5;
	p2 =	por !p2, p0  }
0x20: {  	[sflag:s8] =	ssyncset.s32 @!p0 $0xFFFFF086;
	s6 =	sadd.s32 @!p0 s3, s7;
	s7 =	simm.s32 @!p0 $0x108  }
0x21: {  	s3 =	sadd.s32 s3, s9;
	s6 =	sadd.s32 @!p0 $0x88, s6;
	s7 =	simm.s32 @p2 $0x1082  }
0x22: {  	[simem:s7], [sflag:s8] =	dma.local @!p0 [hbm:s6], $0xF7A  }
0x23: {  	s9 =	sor.u32 $0xD0000000, s2;
	s6 =	simm.s32 $0x108;
	_ =	swait.ge @!p0 [sflag:s8], $0x0  }
0x24: {  	s3 =	sadd.s32 $0x88, s3;
	s6 =	simm.s32 @!p1 $0x1082;
	[sflag:s4] =	ssyncset.s32 $0xFFFFF086  }
0x25: {  	[simem:s6], [sflag:s4] =	dma.local [hbm:s3], $0xF7A  }
0x26: {  	[smem:$0x3F8F] =	sst s1;
	(tag) =	ssettag s2;
	_ =	strace s9  }
0x27: {  	s1 =	sld [smem:$0x3F9F]  }
0x28: {  	s2 =	sld [smem:$0x3FA0]  }
0x29: {  	s4 =	sld [smem:$0x3FA2]  }
0x2a: {  	p0 =	seq.s32 s5, $0x0;
	s5 =	sld [smem:$0x3FA3]  }
0x2b: {  	s6 =	sld [smem:$0x3FA4]  }
0x2c: {  	s7 =	sld [smem:$0x3FA5]  }
0x2d: {  	s3 =	simm.s32 $0x108;
	s8 =	sld [smem:$0x3FA6]  }
0x2e: {  	s3 =	simm.s32 @!p0 $0x1082;
	s9 =	sld [smem:$0x3FA7]  }
0x2f: {  	lr =	sadd.s32 s0, s3;
	s0 =	sld [smem:$0x3F9E]  }
0x30: {  	s3 =	sld [smem:$0x3FA1]  }
0x31: {  	[smem:$0x3FAA] =	sst s10  }
0x32: {  	s10 =	sld [smem:$0x3FA8];
	_ =	sdelay $0x3  }
0x33: {  	p0 =	seq.s32 s10, $0x1;
	s10 =	sld [smem:$0x3FAA];
	_ =	sdelay $0x3  }
0x34: {  	[smem:$0x3FAA] =	sst s10  }
0x35: {  	s10 =	sld [smem:$0x3FA9];
	_ =	sdelay $0x3  }
0x36: {  	p1 =	seq.s32 s10, $0x1;
	s10 =	sld [smem:$0x3FAA];
	_ =	sdelay $0x3  }
0x37: {  	[smem:$0x3FAA] =	sst s10  }
0x38: {  	s10 =	sld [smem:$0x3FAB]  }
0x39: {  	_ = 	snop;
	(pc) =	sbr.ind lr, $3  }
0x3a: {  	_ = 	snop  }
0x3b: {  	_ = 	snop  }
0x3c: {  	p2 =	seq.s32 s10, $0x1;
	s10 =	sld [smem:$0x3FAA]  }
0x3d: {  	_ =	shalt  }
0x3e: {  	_ =	shalt  }
0x3f: {  	_ =	shalt  }
0x40: {  	_ =	shalt  }
0x41: {  	_ =	shalt  }
0x42: {  	_ =	shalt  }
0x43: {  	_ =	shalt  }
0x44: {  	_ =	shalt  }
0x45: {  	_ =	shalt  }
0x46: {  	_ =	shalt  }
0x47: {  	_ =	shalt  }
0x48: {  	_ =	shalt  }
0x49: {  	_ =	shalt  }
0x4a: {  	_ =	shalt  }
0x4b: {  	_ =	shalt  }
0x4c: {  	_ =	shalt  }
0x4d: {  	_ =	shalt  }
0x4e: {  	_ =	shalt  }
0x4f: {  	_ =	shalt  }
0x50: {  	_ =	shalt  }
0x51: {  	_ =	shalt  }
0x52: {  	_ =	shalt  }
0x53: {  	_ =	shalt  }
0x54: {  	_ =	shalt  }
0x55: {  	_ =	shalt  }
0x56: {  	_ =	shalt  }
0x57: {  	_ =	shalt  }
0x58: {  	_ =	shalt  }
0x59: {  	_ =	shalt  }
0x5a: {  	_ =	shalt  }
0x5b: {  	_ =	shalt  }
0x5c: {  	_ =	shalt  }
0x5d: {  	_ =	shalt  }
0x5e: {  	_ =	shalt  }
0x5f: {  	_ =	shalt  }
0x60: {  	_ =	shalt  }
0x61: {  	_ =	shalt  }
0x62: {  	_ =	shalt  }
0x63: {  	_ =	shalt  }
0x64: {  	_ =	shalt  }
0x65: {  	_ =	shalt  }
0x66: {  	_ =	shalt  }
0x67: {  	_ =	shalt  }
0x68: {  	_ =	shalt  }
0x69: {  	_ =	shalt  }
0x6a: {  	_ =	shalt  }
0x6b: {  	_ =	shalt  }
0x6c: {  	_ =	shalt  }
0x6d: {  	_ =	shalt  }
0x6e: {  	_ =	shalt  }
0x6f: {  	_ =	shalt  }
0x70: {  	_ =	shalt  }
0x71: {  	_ =	shalt  }
0x72: {  	_ =	shalt  }
0x73: {  	_ =	shalt  }
0x74: {  	_ =	shalt  }
0x75: {  	_ =	shalt  }
0x76: {  	_ =	shalt  }
0x77: {  	_ =	shalt  }
0x78: {  	_ =	shalt  }
0x79: {  	_ =	shalt  }
0x7a: {  	_ =	shalt  }
0x7b: {  	_ =	shalt  }
0x7c: {  	_ =	shalt  }
0x7d: {  	_ =	shalt  }
0x7e: {  	_ =	shalt  }
0x7f: {  	_ =	shalt  }
0x80: {  	_ =	shalt  }
0x81: {  	_ =	shalt  }
0x82: {  	_ =	shalt  }
0x83: {  	_ =	shalt  }
0x84: {  	_ =	shalt  }
0x85: {  	_ =	shalt  }
0x86: {  	_ =	shalt  }
0x87: {  	_ =	shalt  }
.Lfunc_end0:
.L_simem_size_0:
called_computation_lowered:
.L_overlay_start_0:
0x88: {  	s2 =	sld [smem:$0x3FD9]  }
0x89: {  	s3 =	sld [smem:$0x3FFE];
	_ =	sdelay $0x1  }
0x8a: {  	s1 =	srdreg.scid  }
0x8b: {  	s0 =	sand.u32 $0x1, s1  }
0x8c: {  	s14 =	sshll.u32 s0, $0xA;
	s2 =	sadd.s32 s3, s2  }
0x8d: {  	s2 =	sadd.s32 s2, s14  }
0x8e: {  	[smem:$0x3FB6] =	sst s2  }
0x8f: {  	_ = 	snop  }
0x90: {  	s2 =	sld [smem:$0x3FD0];
	_ =	sdelay $0x2  }
0x91: {  	s4 =	simm.s32 $0xA;
	s5 =	simm.s32 $0x10;
	s15 =	sld [smem:$0x3FC7]  }
0x92: {  	[smem:s5], [sflag:s4] =	dma.local [hbm:s2], $0x1  }
0x93: {  	_ =	swait.eq [sflag:s4], $0x1  }
0x94: {  	[sflag:s4] =	ssyncset.done $0x0  }
0x95: {  	[sflag:s4] =	ssyncadd.s32 $0xFFFFFFFF  }
0x96: {  	s16 =	sld [smem:$0x11];
	(tm) =	ssettm $0x1  }
0x97: {  	s17 =	sld [smem:$0x3FFB];
	_ =	sdelay $0x3  }
0x98: {  	_ =	strace s17  }
0x99: {  	s4 =	sld [smem:$0x3FFC];
	_ =	sdelay $0x3  }
0x9a: {  	_ =	strace s4  }
0x9b: {  	s4 =	sld [smem:$0x3FFD];
	_ =	sdelay $0x3  }
0x9c: {  	_ =	strace s4  }
0x9d: {  	_ =	strace $0x8FFFFFFF  }
0x9e: {  	s18 =	sld [smem:$0x3FDB];
	_ =	sdelay $0x1  }
0x9f: {  	s19 =	simm.s32 $_scs_section_size  }
0xa0: {  	s6 =	simm.s32 $_size__tile_overlayer_lowered;
	s7 =	simm.s32 $_tile_overlayer_lowered  }
0xa1: {  	s22 =	simm.s32 $0x1BFF;
	s21 =	sshll.u32 s7, $0x1;
	s4 =	sadd.s32 s19, s18  }
0xa2: {  	s8 =	simm.s32 $0x0;
	s20 =	sshll.u32 s6, $0x1;
	s6 =	sadd.s32 s21, s4  }
0xa3: {  	[timem:s8], [sflag:s22] =	dma.local [hbm:s6], s20  }
0xa4: {  	_ =	swait.ge [sflag:s22], s20  }
0xa5: {  	s5 =	ssub.s32 $0x0, s20;
	[sflag:s22] =	ssyncset.done $0x0  }
0xa6: {  	[sflag:s22] =	ssyncadd.s32 s5;
	_ =	sdelay $0x1  }
0xa7: {  	s23 =	simm.s32 $0x1B8B  }
0xa8: {  	_ =	swait.ge [sflag:s23], $0x1  }
0xa9: {  	[sflag:s23] =	ssyncset.done $0x0  }
0xaa: {  	s25 =	simm.s32 $0x1B8E;
	s24 =	sld [smem:$0x3FFE];
	[sflag:s23] =	ssyncadd.s32 $0xFFFFFFFF  }
0xab: {  	s26 =	simm.s32 $execute0_lowered;
	[smem:$0x3FD2] =	sst s25  }
0xac: {  	s6 =	sshll.u32 s26, $0x1;
	_ =	strace $0x80000046;
	[dreg:$0x1] =	wrdreg $0xFFFFFFFF  }
0xad: {  	s28 =	simm.s32 $_size_execute0_lowered;
	s4 =	sadd.s32 s4, s6;
	[dreg:$0x0] =	wrdreg $0x0  }
0xae: {  	s6 =	sshll.u32 s28, $0x1;
	[dreg:$0x2] =	wrdreg s4  }
0xaf: {  	[dreg:$0x3] =	wrdreg s6  }
0xb0: {  	[dreg:$0x4] =	wrdreg $0xC0  }
0xb1: {  	_ =	task [dreg:s8], $0x5FFFF  }
0xb2: {  	[dreg:$0x1] =	wrdreg $0xFFFFFFFF  }
0xb3: {  	[dreg:$0x0] =	wrdreg $0x60  }
0xb4: {  	[dreg:$0x2] =	wrdreg s16  }
0xb5: {  	[dreg:$0x3] =	wrdreg s15  }
0xb6: {  	[dreg:$0x4] =	wrdreg s24  }
0xb7: {  	[dreg:$0x5] =	wrdreg $0x9  }
0xb8: {  	_ =	task.clear_ibuf [dreg:s8], $0x6FFFF;
	_ =	strace $0x90000046  }
0xb9: {  	s29 =	simm.s32 $0x9;
	_ =	strace $0x80000048  }
0xba: {  	_ =	swait.ge [sflag:s29], $0x1  }
0xbb: {  	[sflag:s29] =	ssyncadd.s32 $0xFFFFFFFF  }
0xbc: {  	_ =	strace $0x90000048  }
0xbd: {  	_ =	sfence  }
0xbe: {  	s30 =	sld [smem:$0x0];
	_ =	sdelay $0x2  }
0xbf: {  	s31 =	sshll.u32 s1, $0xD;
	s1 =	sshrl.u32 s1, $0x2  }
0xc0: {  	s3 =	sand.u32 $0x4000, s31;
	s1 =	sadd.s32 s1, s30  }
0xc1: {  	s0 =	sor.u32 s3, s0;
	s1 =	sshll.u32 s1, $0x11  }
0xc2: {  	s0 =	sor.u32 s1, s0  }
0xc3: {  	s0 =	sadd.s32 $0x8F2B, s0  }
0xc4: {  	[sflag:s0] =	ssyncadd.remote.s32 $0x1  }
0xc5: {  	_ =	sfence.sel $0xFFFF  }
0xc6: {  	[dreg:$0x0] =	wrdreg $0xFFFFFFFF;
	(pc) =	sbr.abs _section_cstart, $3  }
0xc7: {  	[dreg:$0x1] =	wrdreg $0xFFFFFFFF  }
0xc8: {  	_ =	task.clear_ibuf [dreg:s8], $0x2FFFF;
	_ =	strace $0x9FFFFFFF  }
0xc9: {  	(tm) =	ssettm $0x7FFFFFFF  }
tec
execute0_lowered:
.L_overlay_start_1:
0x0: {  	(tag) =	ssettag $0x1  }
0x1: {  	s3 =	rddreg [dreg:$0x0];
	s1 =	srdreg.scid  }
0x2: {  	s0 =	stileid.u32;
	s4 =	rddreg [dreg:$0x1]  }
0x3: {  	s6 =	rddreg [dreg:$0x2];
	s5 =	sand.u32 $0x1, s1;
	s31 =	sshll.u32 s0, $0x1  }
0x4: {  	s2 =	simm.s32 $0x0;
	s9 =	simm.s32 $0x4E20;
	s7 =	sor.u32 s5, s31  }
0x5: {  	s1 =	rddreg [dreg:$0x3];
	s5 =	ssub.s32 $0x2, s5;
	s7 =	smul.u32 $0x4E2, s7  }
0x6: {  	s10 =	simm.s32 $0x0;
	[smem:$0x7FF] =	sst s2;
	s8 =	sshrl.u32 s5, $0x1  }
0x7: {  	_ =	strace $0x80000047;
	s8 =	ssub.s32 s5, s8;
	s6 =	sadd.s32 s7, s6  }
0x8: {  	s3 =	sadd.s32 s3, s7;
	s4 =	sadd.s32 s4, s7;
	s7 =	simm.s32 $0x1  }
0x9: {  	v0 =	vimm.f32 $0.0e+00;
	s5 =	sadd.s32 $0x3000, s6;
	s6 =	smax.u32 s8, $0x1;
	s8 =	simm.s32 $0x2710  }
.LBB2_1:
0xa: {  	[tilespmem:s2], [sflag:$0x1] =	stream.linear.gather [hbm4b:s3+s2], $0x2710, $0x38;
	[tilespmem:$0x7530] =	vst v63  }
0xb: {  	_ =	swait.ge [sflag:s7], $0x2710  }
0xc: {  	[sflag:s7] =	ssyncset.done $0x0  }
0xd: {  	[sflag:s7] =	ssyncadd.s32 $0xFFFFD8F0  }
0xe: {  	[tilespmem:s8], [sflag:$0x1] =	stream.linear.gather [hbm4b:s4+s2], $0x2710, $0x38;
	[tilespmem:$0x7530] =	vst v63  }
0xf: {  	_ =	swait.ge [sflag:s7], $0x2710  }
0x10: {  	[sflag:s7] =	ssyncset.done $0x0  }
0x11: {  	s11 =	simm.s32 $0x0;
	[sflag:s7] =	ssyncadd.s32 $0xFFFFD8F0  }
.LBB2_2:
0x12: {  	p0 =	sne.s32 s11, $0x9C00  }
.Ltmp0:
0x13: {  	_ = 	snop;
	(pc) =	sbr.rel @p0 .LBB2_2-.Ltmp0, $3  }
0x14: {  	_ =	sdelay $0x1  }
0x15: {  	s12 =	sshra.s32 s11, $0x2  }
0x16: {  	s11 =	sadd.s32 $0x40, s11;
	[tilespmem:s12+$0x4E20] =	vst v0  }
0x17: {  	s12 =	simm.s32 $0x20  }
0x18: {  	v5 =	vld [tilespmem:s12+$0x10]  }
0x19: {  	v6 =	vld [tilespmem:s12+$0xFFFFFFF0]  }
0x1a: {  	s11 =	simm.s32 $0x2730;
	v1 =	vld [tilespmem:s12+$0x0]  }
0x1b: {  	v7 =	vld [tilespmem:s11+$0x10]  }
0x1c: {  	v8 =	vld [tilespmem:s11+$0xFFFFFFF0]  }
0x1d: {  	v4 =	vld [tilespmem:s11+$0x0]  }
0x1e: {  	v2 =	vld [tilespmem:s12+$0xFFFFFFE0]  }
0x1f: {  	v3 =	vld [tilespmem:s11+$0xFFFFFFE0]  }
0x20: {  	[tilespmem:v5+s9+$0x0] =	vst.idx.add.f32.msk $0xffff, v7  }
0x21: {  	s13 =	simm.s32 $0x60;
	s12 =	simm.s32 $0x0;
	[tilespmem:v6+s9+$0x0] =	vst.idx.add.f32.msk $0xffff, v8  }
.LBB2_4:
0x22: {  	v5 =	vld [tilespmem:s13+$0x10];
	s12 =	sadd.s32 $0x4, s12;
	v6 =	vmov v4  }
0x23: {  	v7 =	vld [tilespmem:s13+$0xFFFFFFF0];
	p0 =	slt.u32 s12, $0x26C  }
0x24: {  	s11 =	sadd.s32 $0x40, s11;
	v8 =	vld [tilespmem:s13+$0x0]  }
0x25: {  	v9 =	vld [tilespmem:s11+$0x10]  }
0x26: {  	v10 =	vld [tilespmem:s13+$0xFFFFFFE0]  }
0x27: {  	v11 =	vld [tilespmem:s11+$0xFFFFFFE0]  }
0x28: {  	v12 =	vld [tilespmem:s11+$0xFFFFFFF0]  }
.Ltmp1:
0x29: {  	v4 =	vld [tilespmem:s11+$0x0];
	(pc) =	sbr.rel @p0 .LBB2_4-.Ltmp1, $4  }
0x2a: {  	[tilespmem:v5+s9+$0x0] =	vst.idx.add.f32.msk $0xffff, v9  }
0x2b: {  	[tilespmem:v2+s9+$0x0] =	vst.idx.add.f32.msk $0xffff, v3;
	v2 =	vmov v10  }
0x2c: {  	[tilespmem:v1+s9+$0x0] =	vst.idx.add.f32.msk $0xffff, v6;
	v1 =	vmov v8;
	v3 =	vmov v11  }
0x2d: {  	s13 =	sadd.s32 $0x40, s13;
	[tilespmem:v7+s9+$0x0] =	vst.idx.add.f32.msk $0xffff, v12  }
0x2e: {  	_ =	sdelay $0x3  }
0x2f: {  	[tilespmem:v2+s9+$0x0] =	vst.idx.add.f32.msk $0xffff, v3  }
0x30: {  	[tilespmem:v1+s9+$0x0] =	vst.idx.add.f32.msk $0xffff, v4  }
0x31: {  	v1 =	vld [tilespmem:$0x2700];
	_ =	sdelay $0x2  }
0x32: {  	v2 =	vld [tilespmem:$0x4E10];
	_ =	sdelay $0x2  }
0x33: {  	s10 =	sadd.s32 $0x1, s10  }
0x34: {  	p0 =	sne.s32 s10, s6  }
.Ltmp2:
0x35: {  	[tilespmem:v1+s9+$0x0] =	vst.idx.add.f32.msk $0xffff, v2;
	(pc) =	sbr.rel @p0 .LBB2_1-.Ltmp2, $4  }
0x36: {  	[hbm4b:s5+s2] =	stream.linear.scatter [tilespmem:s9], [sflag:$0x1], $0x2710, $0x38;
	[tilespmem:$0x7530] =	vst v63  }
0x37: {  	_ =	swait.ge [sflag:s7], $0x2710  }
0x38: {  	[sflag:s7] =	ssyncset.done $0x0  }
0x39: {  	[sflag:s7] =	ssyncadd.s32 $0xFFFFD8F0  }
0x3a: {  	_ =	sfence.sel $0x180000  }
0x3b: {  	[bflag:$0x0] =	sbarrier.arrive $0xFFFF  }
0x3c: {  	p0 =	sne.s32 s0, $0x0;
	_ =	strace $0x90000047  }
0x3d: {  	s0 =	sadd.s32 @!p0 $0x100000, s1;
	[bflag:$0x2] =	sbarrier.arrive $0xFFFF  }
0x3e: {  	[sflag:s0] =	ssyncadd.tile.s32 @!p0 $0x1;
	_ =	shalt  }
.Lfunc_end2:
_tile_overlayer_lowered:
.L_overlay_start_2:
0x3f: {  	(tag) =	ssettag $0x2  }
0x40: {  	s0 =	rddreg [dreg:$0x0];
	s2 =	stileid.u32  }
0x41: {  	s1 =	rddreg [dreg:$0x1];
	p0 =	sne.s32 s2, $0x0  }
0x42: {  	s3 =	rddreg [dreg:$0x2];
	[bflag:$0x3] =	sbarrier.arrive $0xFFFF;
	s2 =	simm.s32 @!p0 $0x1C01  }
0x43: {  	[timem:s3], [sflag:s2] =	dma.local @!p0 [hbm:s0], s1  }
0x44: {  	s0 =	simm.s32 @!p0 $0x1  }
0x45: {  	_ =	swait.ge @!p0 [sflag:s0], s1  }
0x46: {  	s1 =	ssub.s32 @!p0 $0x0, s1;
	[sflag:s0] =	ssyncset.done @!p0 $0x0  }
0x47: {  	[sflag:s0] =	ssyncadd.s32 @!p0 s1  }
0x48: {  	[bflag:$0x3] =	sbarrier.arrive $0xFFFF  }
0x49: {  	_ =	shalt  }

// kernel: kernel.9.cloned.1.call-start
scs
__scs_entry_jumppad:
0x0: {  	(pc) =	sbr.rel $0x88, $3  }
0x1: {  	(tag) =	ssettag $0x0;
	lr =	simm.s32 $0x1  }
0x2: {  	[smem:$0x3F8F] =	sst lr;
	_ =	strace $0xD0000000  }
0x3: {  	_ = 	snop  }
0x4: {  	_ = 	snop  }
0x5: {  	_ = 	snop  }
0x6: {  	_ = 	snop  }
0x7: {  	_ = 	snop  }
__scs_overlays_trampoline_lowered:
0x8: {  	[smem:$0x3F9E] =	sst s0  }
0x9: {  	[smem:$0x3F9F] =	sst s1  }
0xa: {  	[smem:$0x3FA0] =	sst s2  }
0xb: {  	[smem:$0x3FA1] =	sst s3  }
0xc: {  	[smem:$0x3FA2] =	sst s4  }
0xd: {  	[smem:$0x3FA3] =	sst s5  }
0xe: {  	[smem:$0x3FA4] =	sst s6  }
0xf: {  	[smem:$0x3FA5] =	sst s7  }
0x10: {  	[smem:$0x3FA6] =	sst s8  }
0x11: {  	[smem:$0x3FA7] =	sst s9;
	s0 =	simm.s32 @!p0 $0x0  }
0x12: {  	s1 =	sld [smem:$0x3F8D];
	s0 =	simm.s32 @p0 $0x1  }
0x13: {  	[smem:$0x3FA8] =	sst s0;
	s0 =	simm.s32 @!p1 $0x0  }
0x14: {  	s2 =	sld [smem:$0x3F8C];
	s0 =	simm.s32 @p1 $0x1  }
0x15: {  	[smem:$0x3FA9] =	sst s0;
	s0 =	simm.s32 @!p2 $0x0  }
0x16: {  	s3 =	sld [smem:$0x3FDB];
	s0 =	simm.s32 @p2 $0x1  }
0x17: {  	s4 =	simm.s32 $0x1BF5;
	[smem:$0x3FAB] =	sst s0  }
0x18: {  	s0 =	sld [smem:$0x3F8E];
	_ =	swait.ge [sflag:s4], $0x0  }
0x19: {  	s7 =	sld [smem:$0x3F8F]  }
0x1a: {  	s8 =	sadd.s32 $0xFFFFE003, lr  }
0x1b: {  	s9 =	sadd.s32 $0xFFFFFEF7, lr;
	s5 =	simm.s32 $0xFFFFFFFF;
	p2 =	slt.u32 s8, $0xFFFFF086  }
0x1c: {  	p1 =	slt.u32 s9, $0xF7A;
	s5 =	simm.s32 @!p2 $0x0  }
0x1d: {  	s5 =	simm.s32 @p1 $0x1;
	p0 =	seq.s32 s7, s2  }
0x1e: {  	s7 =	smul.u32 @!p0 $0xF7A, s2;
	p2 =	seq.s32 @!p0 s5, $0x0  }
0x1f: {  	s9 =	smul.u32 $0xF7A, s1;
	s8 =	simm.s32 @!p0 $0x1BF5;
	p2 =	por !p2, p0  }
0x20: {  	[sflag:s8] =	ssyncset.s32 @!p0 $0xFFFFF086;
	s6 =	sadd.s32 @!p0 s3, s7;
	s7 =	simm.s32 @!p0 $0x108  }
0x21: {  	s3 =	sadd.s32 s3, s9;
	s6 =	sadd.s32 @!p0 $0x88, s6;
	s7 =	simm.s32 @p2 $0x1082  }
0x22: {  	[simem:s7], [sflag:s8] =	dma.local @!p0 [hbm:s6], $0xF7A  }
0x23: {  	s9 =	sor.u32 $0xD0000000, s2;
	s6 =	simm.s32 $0x108;
	_ =	swait.ge @!p0 [sflag:s8], $0x0  }
0x24: {  	s3 =	sadd.s32 $0x88, s3;
	s6 =	simm.s32 @!p1 $0x1082;
	[sflag:s4] =	ssyncset.s32 $0xFFFFF086  }
0x25: {  	[simem:s6], [sflag:s4] =	dma.local [hbm:s3], $0xF7A  }
0x26: {  	[smem:$0x3F8F] =	sst s1;
	(tag) =	ssettag s2;
	_ =	strace s9  }
0x27: {  	s1 =	sld [smem:$0x3F9F]  }
0x28: {  	s2 =	sld [smem:$0x3FA0]  }
0x29: {  	s4 =	sld [smem:$0x3FA2]  }
0x2a: {  	p0 =	seq.s32 s5, $0x0;
	s5 =	sld [smem:$0x3FA3]  }
0x2b: {  	s6 =	sld [smem:$0x3FA4]  }
0x2c: {  	s7 =	sld [smem:$0x3FA5]  }
0x2d: {  	s3 =	simm.s32 $0x108;
	s8 =	sld [smem:$0x3FA6]  }
0x2e: {  	s3 =	simm.s32 @!p0 $0x1082;
	s9 =	sld [smem:$0x3FA7]  }
0x2f: {  	lr =	sadd.s32 s0, s3;
	s0 =	sld [smem:$0x3F9E]  }
0x30: {  	s3 =	sld [smem:$0x3FA1]  }
0x31: {  	[smem:$0x3FAA] =	sst s10  }
0x32: {  	s10 =	sld [smem:$0x3FA8];
	_ =	sdelay $0x3  }
0x33: {  	p0 =	seq.s32 s10, $0x1;
	s10 =	sld [smem:$0x3FAA];
	_ =	sdelay $0x3  }
0x34: {  	[smem:$0x3FAA] =	sst s10  }
0x35: {  	s10 =	sld [smem:$0x3FA9];
	_ =	sdelay $0x3  }
0x36: {  	p1 =	seq.s32 s10, $0x1;
	s10 =	sld [smem:$0x3FAA];
	_ =	sdelay $0x3  }
0x37: {  	[smem:$0x3FAA] =	sst s10  }
0x38: {  	s10 =	sld [smem:$0x3FAB]  }
0x39: {  	_ = 	snop;
	(pc) =	sbr.ind lr, $3  }
0x3a: {  	_ = 	snop  }
0x3b: {  	_ = 	snop  }
0x3c: {  	p2 =	seq.s32 s10, $0x1;
	s10 =	sld [smem:$0x3FAA]  }
0x3d: {  	_ =	shalt  }
0x3e: {  	_ =	shalt  }
0x3f: {  	_ =	shalt  }
0x40: {  	_ =	shalt  }
0x41: {  	_ =	shalt  }
0x42: {  	_ =	shalt  }
0x43: {  	_ =	shalt  }
0x44: {  	_ =	shalt  }
0x45: {  	_ =	shalt  }
0x46: {  	_ =	shalt  }
0x47: {  	_ =	shalt  }
0x48: {  	_ =	shalt  }
0x49: {  	_ =	shalt  }
0x4a: {  	_ =	shalt  }
0x4b: {  	_ =	shalt  }
0x4c: {  	_ =	shalt  }
0x4d: {  	_ =	shalt  }
0x4e: {  	_ =	shalt  }
0x4f: {  	_ =	shalt  }
0x50: {  	_ =	shalt  }
0x51: {  	_ =	shalt  }
0x52: {  	_ =	shalt  }
0x53: {  	_ =	shalt  }
0x54: {  	_ =	shalt  }
0x55: {  	_ =	shalt  }
0x56: {  	_ =	shalt  }
0x57: {  	_ =	shalt  }
0x58: {  	_ =	shalt  }
0x59: {  	_ =	shalt  }
0x5a: {  	_ =	shalt  }
0x5b: {  	_ =	shalt  }
0x5c: {  	_ =	shalt  }
0x5d: {  	_ =	shalt  }
0x5e: {  	_ =	shalt  }
0x5f: {  	_ =	shalt  }
0x60: {  	_ =	shalt  }
0x61: {  	_ =	shalt  }
0x62: {  	_ =	shalt  }
0x63: {  	_ =	shalt  }
0x64: {  	_ =	shalt  }
0x65: {  	_ =	shalt  }
0x66: {  	_ =	shalt  }
0x67: {  	_ =	shalt  }
0x68: {  	_ =	shalt  }
0x69: {  	_ =	shalt  }
0x6a: {  	_ =	shalt  }
0x6b: {  	_ =	shalt  }
0x6c: {  	_ =	shalt  }
0x6d: {  	_ =	shalt  }
0x6e: {  	_ =	shalt  }
0x6f: {  	_ =	shalt  }
0x70: {  	_ =	shalt  }
0x71: {  	_ =	shalt  }
0x72: {  	_ =	shalt  }
0x73: {  	_ =	shalt  }
0x74: {  	_ =	shalt  }
0x75: {  	_ =	shalt  }
0x76: {  	_ =	shalt  }
0x77: {  	_ =	shalt  }
0x78: {  	_ =	shalt  }
0x79: {  	_ =	shalt  }
0x7a: {  	_ =	shalt  }
0x7b: {  	_ =	shalt  }
0x7c: {  	_ =	shalt  }
0x7d: {  	_ =	shalt  }
0x7e: {  	_ =	shalt  }
0x7f: {  	_ =	shalt  }
0x80: {  	_ =	shalt  }
0x81: {  	_ =	shalt  }
0x82: {  	_ =	shalt  }
0x83: {  	_ =	shalt  }
0x84: {  	_ =	shalt  }
0x85: {  	_ =	shalt  }
0x86: {  	_ =	shalt  }
0x87: {  	_ =	shalt  }
.Lfunc_end0:
.L_simem_size_0:
called_computation.1_lowered:
.L_overlay_start_0:
0x88: {  	s2 =	sld [smem:$0x3FD9]  }
0x89: {  	s3 =	sld [smem:$0x3FFE];
	_ =	sdelay $0x1  }
0x8a: {  	s1 =	srdreg.scid  }
0x8b: {  	s0 =	sand.u32 $0x1, s1  }
0x8c: {  	s16 =	sshll.u32 s0, $0xA;
	s2 =	sadd.s32 s3, s2  }
0x8d: {  	s2 =	sadd.s32 s2, s16  }
0x8e: {  	[smem:$0x3FB6] =	sst s2  }
0x8f: {  	_ = 	snop  }
0x90: {  	(tm) =	ssettm $0x1  }
0x91: {  	s17 =	sld [smem:$0x3FFB];
	_ =	sdelay $0x3  }
0x92: {  	_ =	strace s17  }
0x93: {  	s2 =	sld [smem:$0x3FFC];
	_ =	sdelay $0x3  }
0x94: {  	_ =	strace s2  }
0x95: {  	s2 =	sld [smem:$0x3FFD];
	_ =	sdelay $0x3  }
0x96: {  	_ =	strace s2  }
0x97: {  	_ =	strace $0x8FFFFFFF  }
0x98: {  	s18 =	sld [smem:$0x3FDB];
	_ =	sdelay $0x1  }
0x99: {  	s19 =	simm.s32 $_scs_section_size  }
0x9a: {  	s4 =	simm.s32 $_size__tile_overlayer_lowered;
	s5 =	simm.s32 $_tile_overlayer_lowered  }
0x9b: {  	s22 =	simm.s32 $0x1BFF;
	s21 =	sshll.u32 s5, $0x1;
	s2 =	sadd.s32 s19, s18  }
0x9c: {  	s6 =	simm.s32 $0x0;
	s20 =	sshll.u32 s4, $0x1;
	s4 =	sadd.s32 s21, s2  }
0x9d: {  	[timem:s6], [sflag:s22] =	dma.local [hbm:s4], s20  }
0x9e: {  	_ =	swait.ge [sflag:s22], s20  }
0x9f: {  	s3 =	ssub.s32 $0x0, s20;
	[sflag:s22] =	ssyncset.done $0x0  }
0xa0: {  	[sflag:s22] =	ssyncadd.s32 s3;
	_ =	sdelay $0x1  }
0xa1: {  	s23 =	simm.s32 $0x1B8B  }
0xa2: {  	_ =	swait.ge [sflag:s23], $0x1  }
0xa3: {  	[sflag:s23] =	ssyncset.done $0x0  }
0xa4: {  	s25 =	simm.s32 $0x1B8E;
	s24 =	sld [smem:$0x3FFE];
	[sflag:s23] =	ssyncadd.s32 $0xFFFFFFFF  }
0xa5: {  	s26 =	simm.s32 $execute0_lowered;
	[smem:$0x3FD2] =	sst s25  }
0xa6: {  	s4 =	sshll.u32 s26, $0x1;
	_ =	strace $0x80000049;
	[dreg:$0x1] =	wrdreg $0xFFFFFFFF  }
0xa7: {  	s28 =	simm.s32 $_size_execute0_lowered;
	s2 =	sadd.s32 s2, s4;
	[dreg:$0x0] =	wrdreg $0x0  }
0xa8: {  	s4 =	sshll.u32 s28, $0x1;
	[dreg:$0x2] =	wrdreg s2  }
0xa9: {  	[dreg:$0x3] =	wrdreg s4  }
0xaa: {  	[dreg:$0x4] =	wrdreg $0xC0  }
0xab: {  	_ =	task [dreg:s6], $0x5FFFF  }
0xac: {  	[dreg:$0x1] =	wrdreg $0xFFFFFFFF  }
0xad: {  	[dreg:$0x0] =	wrdreg $0x60  }
0xae: {  	[dreg:$0x2] =	wrdreg s24  }
0xaf: {  	[dreg:$0x3] =	wrdreg $0x9  }
0xb0: {  	_ =	task.clear_ibuf [dreg:s6], $0x4FFFF;
	_ =	strace $0x90000049  }
0xb1: {  	s29 =	simm.s32 $0x9;
	_ =	strace $0x8000004B  }
0xb2: {  	_ =	swait.ge [sflag:s29], $0x1  }
0xb3: {  	[sflag:s29] =	ssyncadd.s32 $0xFFFFFFFF  }
0xb4: {  	_ =	strace $0x9000004B  }
0xb5: {  	_ =	sfence  }
0xb6: {  	s30 =	sld [smem:$0x0];
	_ =	sdelay $0x2  }
0xb7: {  	s31 =	sshll.u32 s1, $0xD;
	s1 =	sshrl.u32 s1, $0x2  }
0xb8: {  	s3 =	sand.u32 $0x4000, s31;
	s1 =	sadd.s32 s1, s30  }
0xb9: {  	s0 =	sor.u32 s3, s0;
	s1 =	sshll.u32 s1, $0x11  }
0xba: {  	s0 =	sor.u32 s1, s0  }
0xbb: {  	s0 =	sadd.s32 $0x8F2B, s0  }
0xbc: {  	[sflag:s0] =	ssyncadd.remote.s32 $0x1  }
0xbd: {  	_ =	sfence.sel $0xFFFF  }
0xbe: {  	[dreg:$0x0] =	wrdreg $0xFFFFFFFF;
	(pc) =	sbr.abs _section_cstart, $3  }
0xbf: {  	[dreg:$0x1] =	wrdreg $0xFFFFFFFF  }
0xc0: {  	_ =	task.clear_ibuf [dreg:s6], $0x2FFFF;
	_ =	strace $0x9FFFFFFF  }
0xc1: {  	(tm) =	ssettm $0x7FFFFFFF  }
tec
execute0_lowered:
.L_overlay_start_1:
0x0: {  	(tag) =	ssettag $0x1  }
0x1: {  	s2 =	stileid.u32  }
0x2: {  	s0 =	srdreg.scid;
	s4 =	rddreg [dreg:$0x0];
	s11 =	simm.s32 $0x1D4C0  }
0x3: {  	s12 =	simm.s32 $0x1E780;
	s13 =	simm.s32 $0x3;
	s14 =	simm.s32 $0x1  }
0x4: {  	s15 =	simm.s32 $0xEA60;
	s16 =	simm.s32 $0x2710;
	s17 =	simm.s32 $0x11170  }
0x5: {  	s18 =	simm.s32 $0x4E20;
	s19 =	simm.s32 $0x13880;
	s20 =	simm.s32 $0x7530  }
0x6: {  	s21 =	simm.s32 $0x15F90;
	s22 =	simm.s32 $0x9C40;
	s23 =	simm.s32 $0x186A0  }
0x7: {  	s24 =	simm.s32 $0xC350;
	s25 =	simm.s32 $0x1ADB0;
	s5 =	sshrl.u32 s2, $0x3  }
0x8: {  	s28 =	simm.s32 $0x0;
	s1 =	sshll.u32 s2, $0x1;
	s6 =	smul.u32 $0xEA600, s5  }
0x9: {  	s0 =	sand.u32 $0x1, s0;
	s2 =	simm.s32 $0x0;
	s7 =	smul.u32 $0x75300, s5  }
0xa: {  	s3 =	sadd.s32 $0xCE00, s4;
	s1 =	sand.u32 $0xE, s1;
	s29 =	smul.u32 $0xEA60, s5  }
0xb: {  	[smem:$0x7FF] =	sst s2;
	s8 =	smul.u32 $0x64, s5;
	s1 =	sor.u32 s0, s1  }
0xc: {  	_ =	strace $0x8000004A;
	s0 =	ssub.s32 $0x2, s0;
	s1 =	smul.u32 $0xEA60, s1  }
0xd: {  	s26 =	sshrl.u32 s0, $0x1;
	s7 =	sshrl.u32 s7, $0x3;
	s31 =	sadd.s32 s3, s29  }
0xe: {  	s0 =	ssub.s32 s0, s26;
	s30 =	sadd.s32 s3, s7;
	[dreg:$0x2] =	wrdreg s31  }
0xf: {  	s7 =	sor.u32 $0x2, s8;
	s8 =	sor.u32 $0x3, s8;
	s6 =	sadd.s32 s6, s1  }
0x10: {  	s26 =	simm.s32 $0x2;
	s1 =	sshrl.u32 s1, $0x3;
	s6 =	sshrl.u32 s6, $0x3  }
0x11: {  	s5 =	sadd.s32 $0x258, s30;
	s1 =	sadd.s32 s1, s4;
	s9 =	sadd.s32 s6, s4  }
0x12: {  	v0 =	vimm.f32 $0.0e+00;
	v1 =	vlaneseq.u32;
	s10 =	smax.u32 s0, $0x1;
	s6 =	sadd.s32 $0x2A400, s1;
	s9 =	sadd.s32 $0x47A00, s9  }
.LBB2_1:
0x13: {  	s0 =	rddreg [dreg:$0x2]  }
0x14: {  	[tilespmem:s11], [sflag:$0x1] =	stream.linear.gather [hbm4b:s0+s2], $0x12C0, $0x38;
	[tilespmem:$0x1FA40] =	vst v63  }
0x15: {  	_ = 	snop  }
0x16: {  	[tilespmem:s12], [sflag:$0x2] =	stream.linear.gather [hbm4b:s5+s2], $0x12C0, $0x38;
	[tilespmem:$0x1FA40] =	vst v63  }
0x17: {  	_ = 	snop  }
0x18: {  	[tilespmem:s2], [sflag:$0x3] =	stream.linear.gather [hbm4b:s6+s2], $0xEA60, $0x38;
	[tilespmem:$0x1FA40] =	vst v63  }
0x19: {  	_ =	swait.ge [sflag:s13], $0xEA60  }
0x1a: {  	[sflag:s13] =	ssyncset.done $0x0  }
0x1b: {  	s1 =	simm.s32 $0x0;
	s0 =	simm.s32 $0x40;
	[sflag:s13] =	ssyncadd.s32 $0xFFFF15A0  }
.LBB2_2:
0x1c: {  	p0 =	sne.s32 s0, $0x9C00;
	[tilespmem:s1+$0xEA60] =	vst v0;
	s1 =	smov.u32 s0;
	s0 =	sadd.s32 $0x40, s0  }
.Ltmp0:
0x1d: {  	(pc) =	sbr.rel @p0 .LBB2_2-.Ltmp0, $2  }
0x1e: {  	_ =	sdelay $0x2  }
0x1f: {  	s1 =	sshra.s32 s1, $0x2  }
0x20: {  	[tilespmem:s1+$0xEA60] =	vst v0;
	s0 =	simm.s32 $0x40;
	s1 =	simm.s32 $0x0  }
.LBB2_4:
0x21: {  	p0 =	sne.s32 s0, $0x9C00;
	[tilespmem:s1+$0x11170] =	vst v0;
	s1 =	smov.u32 s0;
	s0 =	sadd.s32 $0x40, s0  }
.Ltmp1:
0x22: {  	(pc) =	sbr.rel @p0 .LBB2_4-.Ltmp1, $2  }
0x23: {  	_ =	sdelay $0x2  }
0x24: {  	s1 =	sshra.s32 s1, $0x2  }
0x25: {  	[tilespmem:s1+$0x11170] =	vst v0;
	s0 =	simm.s32 $0x40;
	s1 =	simm.s32 $0x0  }
.LBB2_6:
0x26: {  	p0 =	sne.s32 s0, $0x9C00;
	[tilespmem:s1+$0x13880] =	vst v0;
	s1 =	smov.u32 s0;
	s0 =	sadd.s32 $0x40, s0  }
.Ltmp2:
0x27: {  	(pc) =	sbr.rel @p0 .LBB2_6-.Ltmp2, $2  }
0x28: {  	_ =	sdelay $0x2  }
0x29: {  	s1 =	sshra.s32 s1, $0x2  }
0x2a: {  	[tilespmem:s1+$0x13880] =	vst v0;
	s0 =	simm.s32 $0x40;
	s1 =	simm.s32 $0x0  }
.LBB2_8:
0x2b: {  	p0 =	sne.s32 s0, $0x9C00;
	[tilespmem:s1+$0x15F90] =	vst v0;
	s1 =	smov.u32 s0;
	s0 =	sadd.s32 $0x40, s0  }
.Ltmp3:
0x2c: {  	(pc) =	sbr.rel @p0 .LBB2_8-.Ltmp3, $2  }
0x2d: {  	_ =	sdelay $0x2  }
0x2e: {  	s1 =	sshra.s32 s1, $0x2  }
0x2f: {  	[tilespmem:s1+$0x15F90] =	vst v0;
	s0 =	simm.s32 $0x40;
	s1 =	simm.s32 $0x0  }
.LBB2_10:
0x30: {  	p0 =	sne.s32 s0, $0x9C00;
	[tilespmem:s1+$0x186A0] =	vst v0;
	s1 =	smov.u32 s0;
	s0 =	sadd.s32 $0x40, s0  }
.Ltmp4:
0x31: {  	(pc) =	sbr.rel @p0 .LBB2_10-.Ltmp4, $2  }
0x32: {  	_ =	sdelay $0x2  }
0x33: {  	s1 =	sshra.s32 s1, $0x2  }
0x34: {  	[tilespmem:s1+$0x186A0] =	vst v0;
	s29 =	simm.s32 $0x0;
	s0 =	simm.s32 $0x40;
	s1 =	simm.s32 $0x0  }
.LBB2_12:
0x35: {  	p0 =	sne.s32 s0, $0x9C00;
	[tilespmem:s1+$0x1ADB0] =	vst v0;
	s1 =	smov.u32 s0;
	s0 =	sadd.s32 $0x40, s0  }
.Ltmp5:
0x36: {  	(pc) =	sbr.rel @p0 .LBB2_12-.Ltmp5, $2  }
0x37: {  	_ =	sdelay $0x2  }
0x38: {  	s1 =	sshra.s32 s1, $0x2  }
0x39: {  	[tilespmem:s1+$0x1ADB0] =	vst v0  }
.LBB2_14:
0x3a: {  	s0 =	simm.s32 $0x0  }
0x3b: {  	v2 =	vor.u32 s0, v1  }
0x3c: {  	_ =	swait.ge [sflag:s14], $0x12C0  }
0x3d: {  	[sflag:s14] =	ssyncset.done $0x0  }
0x3e: {  	s4 =	simm.s32 $0x10;
	s1 =	simm.s32 $0x1E150;
	[sflag:s14] =	ssyncadd.s32 $0xFFFFED40  }
0x3f: {  	v3 =	vor.u32 s4, v1;
	v4 =	vld [tilespmem:s1+$0xFFFFFFF0]  }
0x40: {  	v6 =	vld.idx.msk [tilespmem:v2+s2+$0x0], $0xffff;
	_ =	sdelay $0x2  }
0x41: {  	v5 =	vld [tilespmem:s1+$0x0]  }
0x42: {  	v7 =	vld.idx.msk [tilespmem:v3+s2+$0x0], $0xffff  }
0x43: {  	v6 =	vmul.f32 v6, v4;
	_ =	sdelay $0x1  }
0x44: {  	[tilespmem:v2+s15+$0x0] =	vst.idx.add.f32.msk $0xffff, v6  }
0x45: {  	v6 =	vld.idx.msk [tilespmem:v2+s16+$0x0], $0xffff  }
0x46: {  	v7 =	vmul.f32 v7, v5;
	_ =	sdelay $0x1  }
0x47: {  	[tilespmem:v3+s15+$0x0] =	vst.idx.add.f32.msk $0xffff, v7  }
0x48: {  	v7 =	vld.idx.msk [tilespmem:v3+s16+$0x0], $0xffff  }
0x49: {  	v6 =	vmul.f32 v6, v4;
	_ =	sdelay $0x1  }
0x4a: {  	[tilespmem:v2+s17+$0x0] =	vst.idx.add.f32.msk $0xffff, v6  }
0x4b: {  	s1 =	simm.s32 $0x20;
	v8 =	vld.idx.msk [tilespmem:v2+s18+$0x0], $0xffff  }
0x4c: {  	v7 =	vmul.f32 v7, v5;
	v6 =	vor.u32 s1, v1;
	_ =	sdelay $0x1  }
0x4d: {  	s4 =	simm.s32 $0x30;
	[tilespmem:v3+s17+$0x0] =	vst.idx.add.f32.msk $0xffff, v7  }
0x4e: {  	s30 =	simm.s32 $0x1E170;
	v7 =	vor.u32 s4, v1;
	v10 =	vld.idx.msk [tilespmem:v3+s18+$0x0], $0xffff  }
0x4f: {  	v9 =	vld [tilespmem:s30+$0xFFFFFFF0];
	v8 =	vmul.f32 v8, v4  }
0x50: {  	v11 =	vld.idx.msk [tilespmem:v6+s2+$0x0], $0xffff  }
0x51: {  	[tilespmem:v2+s19+$0x0] =	vst.idx.add.f32.msk $0xffff, v8  }
0x52: {  	v12 =	vld.idx.msk [tilespmem:v2+s20+$0x0], $0xffff  }
0x53: {  	v13 =	vld.idx.msk [tilespmem:v7+s2+$0x0], $0xffff;
	v10 =	vmul.f32 v10, v5  }
0x54: {  	v8 =	vld [tilespmem:s30+$0x0]  }
0x55: {  	[tilespmem:v3+s19+$0x0] =	vst.idx.add.f32.msk $0xffff, v10;
	v10 =	vmul.f32 v11, v9  }
0x56: {  	v11 =	vld.idx.msk [tilespmem:v3+s20+$0x0], $0xffff  }
0x57: {  	[tilespmem:v6+s15+$0x0] =	vst.idx.add.f32.msk $0xffff, v10;
	v10 =	vmul.f32 v12, v4  }
0x58: {  	v12 =	vld.idx.msk [tilespmem:v6+s16+$0x0], $0xffff  }
0x59: {  	v13 =	vmul.f32 v13, v8;
	[tilespmem:v2+s21+$0x0] =	vst.idx.add.f32.msk $0xffff, v10  }
0x5a: {  	v14 =	vld.idx.msk [tilespmem:v2+s22+$0x0], $0xffff  }
0x5b: {  	[tilespmem:v7+s15+$0x0] =	vst.idx.add.f32.msk $0xffff, v13;
	v10 =	vmul.f32 v11, v5  }
0x5c: {  	v11 =	vld.idx.msk [tilespmem:v7+s16+$0x0], $0xffff  }
0x5d: {  	[tilespmem:v3+s21+$0x0] =	vst.idx.add.f32.msk $0xffff, v10;
	v12 =	vmul.f32 v12, v9  }
0x5e: {  	v10 =	vld.idx.msk [tilespmem:v3+s22+$0x0], $0xffff  }
0x5f: {  	[tilespmem:v6+s17+$0x0] =	vst.idx.add.f32.msk $0xffff, v12;
	v13 =	vmul.f32 v14, v4  }
0x60: {  	s31 =	simm.s32 $0x2;
	s1 =	simm.s32 $0x50;
	v12 =	vld.idx.msk [tilespmem:v6+s18+$0x0], $0xffff  }
.LBB2_15:
0x61: {  	s0 =	sadd.s32 $0xFFFFFFF0, s1;
	v14 =	vor.u32 s1, v1;
	v11 =	vmul.f32 v11, v8;
	[tilespmem:v2+s23+$0x0] =	vst.idx.add.f32.msk $0xffff, v13  }
0x62: {  	v13 =	vor.u32 s0, v1;
	v15 =	vld.idx.msk [tilespmem:v2+s24+$0x0], $0xffff  }
0x63: {  	s31 =	sadd.s32 $0x2, s31;
	v10 =	vmul.f32 v10, v5;
	[tilespmem:v7+s17+$0x0] =	vst.idx.add.f32.msk $0xffff, v11  }
0x64: {  	p0 =	slt.u32 s31, $0x62;
	v11 =	vld.idx.msk [tilespmem:v7+s18+$0x0], $0xffff  }
0x65: {  	s30 =	sadd.s32 $0x20, s30;
	[tilespmem:v3+s23+$0x0] =	vst.idx.add.f32.msk $0xffff, v10  }
0x66: {  	v12 =	vmul.f32 v12, v9;
	v10 =	vld [tilespmem:s30+$0xFFFFFFF0]  }
0x67: {  	v16 =	vld.idx.msk [tilespmem:v13+s2+$0x0], $0xffff  }
0x68: {  	[tilespmem:v6+s19+$0x0] =	vst.idx.add.f32.msk $0xffff, v12;
	v12 =	vmul.f32 v15, v4;
	v4 =	vmov v9  }
0x69: {  	v15 =	vld.idx.msk [tilespmem:v6+s20+$0x0], $0xffff  }
0x6a: {  	v11 =	vmul.f32 v11, v8;
	[tilespmem:v2+s25+$0x0] =	vst.idx.add.f32.msk $0xffff, v12;
	v2 =	vmov v6;
	v6 =	vmov v13  }
0x6b: {  	v12 =	vld.idx.msk [tilespmem:v14+s2+$0x0], $0xffff;
	v9 =	vmov v10  }
0x6c: {  	v10 =	vld [tilespmem:s30+$0x0]  }
0x6d: {  	[tilespmem:v7+s19+$0x0] =	vst.idx.add.f32.msk $0xffff, v11  }
0x6e: {  	v11 =	vmul.f32 v16, v9;
	v13 =	vld.idx.msk [tilespmem:v7+s20+$0x0], $0xffff  }
0x6f: {  	v16 =	vld.idx.msk [tilespmem:v3+s24+$0x0], $0xffff  }
0x70: {  	[tilespmem:v6+s15+$0x0] =	vst.idx.add.f32.msk $0xffff, v11;
	v11 =	vmul.f32 v15, v4  }
0x71: {  	v15 =	vld.idx.msk [tilespmem:v6+s16+$0x0], $0xffff;
	v12 =	vmul.f32 v12, v10  }
0x72: {  	[tilespmem:v2+s21+$0x0] =	vst.idx.add.f32.msk $0xffff, v11  }
0x73: {  	v17 =	vld.idx.msk [tilespmem:v2+s22+$0x0], $0xffff  }
0x74: {  	[tilespmem:v14+s15+$0x0] =	vst.idx.add.f32.msk $0xffff, v12;
	v12 =	vmul.f32 v13, v8  }
0x75: {  	v13 =	vmul.f32 v16, v5;
	v5 =	vmov v8;
	v8 =	vmov v10;
	v11 =	vld.idx.msk [tilespmem:v14+s16+$0x0], $0xffff  }
.Ltmp6:
0x76: {  	[tilespmem:v7+s21+$0x0] =	vst.idx.add.f32.msk $0xffff, v12;
	(pc) =	sbr.rel @p0 .LBB2_15-.Ltmp6, $4  }
0x77: {  	v12 =	vmul.f32 v15, v9;
	v10 =	vld.idx.msk [tilespmem:v7+s22+$0x0], $0xffff  }
0x78: {  	[tilespmem:v3+s25+$0x0] =	vst.idx.add.f32.msk $0xffff, v13;
	v3 =	vmov v7;
	v7 =	vmov v14  }
0x79: {  	v13 =	vmul.f32 v17, v4;
	[tilespmem:v6+s17+$0x0] =	vst.idx.add.f32.msk $0xffff, v12  }
0x7a: {  	s1 =	sadd.s32 $0x20, s1;
	v12 =	vld.idx.msk [tilespmem:v6+s18+$0x0], $0xffff  }
0x7b: {  	_ =	sdelay $0x1  }
0x7c: {  	v11 =	vmul.f32 v11, v8;
	_ =	sdelay $0x1  }
0x7d: {  	[tilespmem:v7+s17+$0x0] =	vst.idx.add.f32.msk $0xffff, v11  }
0x7e: {  	v11 =	vld.idx.msk [tilespmem:v7+s18+$0x0], $0xffff;
	_ =	sdelay $0x2  }
0x7f: {  	v12 =	vmul.f32 v12, v9;
	_ =	sdelay $0x1  }
0x80: {  	[tilespmem:v6+s19+$0x0] =	vst.idx.add.f32.msk $0xffff, v12;
	v11 =	vmul.f32 v11, v8  }
0x81: {  	v12 =	vld.idx.msk [tilespmem:v6+s20+$0x0], $0xffff  }
0x82: {  	[tilespmem:v7+s19+$0x0] =	vst.idx.add.f32.msk $0xffff, v11  }
0x83: {  	v11 =	vld.idx.msk [tilespmem:v7+s20+$0x0], $0xffff;
	_ =	sdelay $0x2  }
0x84: {  	v12 =	vmul.f32 v12, v9;
	_ =	sdelay $0x1  }
0x85: {  	[tilespmem:v6+s21+$0x0] =	vst.idx.add.f32.msk $0xffff, v12;
	v11 =	vmul.f32 v11, v8  }
0x86: {  	v12 =	vld.idx.msk [tilespmem:v6+s22+$0x0], $0xffff  }
0x87: {  	[tilespmem:v7+s21+$0x0] =	vst.idx.add.f32.msk $0xffff, v11  }
0x88: {  	v11 =	vld.idx.msk [tilespmem:v7+s22+$0x0], $0xffff  }
0x89: {  	[tilespmem:v2+s23+$0x0] =	vst.idx.add.f32.msk $0xffff, v13;
	v10 =	vmul.f32 v10, v5  }
0x8a: {  	v13 =	vld.idx.msk [tilespmem:v2+s24+$0x0], $0xffff  }
0x8b: {  	[tilespmem:v3+s23+$0x0] =	vst.idx.add.f32.msk $0xffff, v10;
	v10 =	vmul.f32 v12, v9  }
0x8c: {  	v12 =	vld.idx.msk [tilespmem:v3+s24+$0x0], $0xffff  }
0x8d: {  	[tilespmem:v6+s23+$0x0] =	vst.idx.add.f32.msk $0xffff, v10;
	v10 =	vmul.f32 v11, v8  }
0x8e: {  	v11 =	vld.idx.msk [tilespmem:v6+s24+$0x0], $0xffff  }
0x8f: {  	[tilespmem:v7+s23+$0x0] =	vst.idx.add.f32.msk $0xffff, v10  }
0x90: {  	v10 =	vld.idx.msk [tilespmem:v7+s24+$0x0], $0xffff;
	_ =	sdelay $0x1  }
0x91: {  	s30 =	sshll.u32 s29, $0x1;
	v4 =	vmul.f32 v13, v4  }
0x92: {  	s0 =	smin.u32 s30, $0x61;
	v5 =	vmul.f32 v12, v5  }
0x93: {  	s0 =	sadd.s32 s0, s7;
	[tilespmem:v2+s25+$0x0] =	vst.idx.add.f32.msk $0xffff, v4;
	v2 =	vmul.f32 v11, v9  }
0x94: {  	s0 =	smul.u32 $0x258, s0;
	[tilespmem:v3+s25+$0x0] =	vst.idx.add.f32.msk $0xffff, v5;
	v3 =	vmul.f32 v10, v8  }
0x95: {  	[tilespmem:v6+s25+$0x0] =	vst.idx.add.f32.msk $0xffff, v2  }
0x96: {  	s1 =	simm.s32 $0x0;
	s0 =	sadd.s32 s3, s0;
	[tilespmem:v7+s25+$0x0] =	vst.idx.add.f32.msk $0xffff, v3  }
0x97: {  	v2 =	vor.u32 s1, v1;
	[tilespmem:s11], [sflag:$0x1] =	stream.linear.gather [hbm4b:s0+s2], $0x12C0, $0x38;
	[tilespmem:$0x1FA40] =	vst v63  }
0x98: {  	_ =	swait.ge [sflag:s26], $0x12C0  }
0x99: {  	s1 =	simm.s32 $0x10;
	[sflag:s26] =	ssyncset.done $0x0  }
0x9a: {  	s4 =	simm.s32 $0x1F410;
	v3 =	vor.u32 s1, v1;
	[sflag:s26] =	ssyncadd.s32 $0xFFFFED40  }
0x9b: {  	v4 =	vld [tilespmem:s4+$0xFFFFFFF0]  }
0x9c: {  	v6 =	vld.idx.msk [tilespmem:v2+s2+$0x0], $0xffff;
	_ =	sdelay $0x2  }
0x9d: {  	v7 =	vld.idx.msk [tilespmem:v3+s2+$0x0], $0xffff  }
0x9e: {  	v5 =	vld [tilespmem:s4+$0x0]  }
0x9f: {  	v6 =	vmul.f32 v6, v4;
	_ =	sdelay $0x1  }
0xa0: {  	[tilespmem:v2+s15+$0x0] =	vst.idx.add.f32.msk $0xffff, v6  }
0xa1: {  	v6 =	vld.idx.msk [tilespmem:v2+s16+$0x0], $0xffff  }
0xa2: {  	v7 =	vmul.f32 v7, v5;
	_ =	sdelay $0x1  }
0xa3: {  	[tilespmem:v3+s15+$0x0] =	vst.idx.add.f32.msk $0xffff, v7  }
0xa4: {  	v7 =	vld.idx.msk [tilespmem:v3+s16+$0x0], $0xffff  }
0xa5: {  	v6 =	vmul.f32 v6, v4;
	_ =	sdelay $0x1  }
0xa6: {  	[tilespmem:v2+s17+$0x0] =	vst.idx.add.f32.msk $0xffff, v6  }
0xa7: {  	s1 =	simm.s32 $0x20;
	v8 =	vld.idx.msk [tilespmem:v2+s18+$0x0], $0xffff  }
0xa8: {  	v7 =	vmul.f32 v7, v5;
	v6 =	vor.u32 s1, v1;
	_ =	sdelay $0x1  }
0xa9: {  	s4 =	simm.s32 $0x30;
	[tilespmem:v3+s17+$0x0] =	vst.idx.add.f32.msk $0xffff, v7  }
0xaa: {  	s31 =	simm.s32 $0x1F430;
	v7 =	vor.u32 s4, v1;
	v10 =	vld.idx.msk [tilespmem:v3+s18+$0x0], $0xffff  }
0xab: {  	v9 =	vld [tilespmem:s31+$0xFFFFFFF0];
	v8 =	vmul.f32 v8, v4  }
0xac: {  	v11 =	vld.idx.msk [tilespmem:v6+s2+$0x0], $0xffff  }
0xad: {  	[tilespmem:v2+s19+$0x0] =	vst.idx.add.f32.msk $0xffff, v8  }
0xae: {  	v12 =	vld.idx.msk [tilespmem:v2+s20+$0x0], $0xffff  }
0xaf: {  	v13 =	vld.idx.msk [tilespmem:v7+s2+$0x0], $0xffff;
	v10 =	vmul.f32 v10, v5  }
0xb0: {  	v8 =	vld [tilespmem:s31+$0x0]  }
0xb1: {  	[tilespmem:v3+s19+$0x0] =	vst.idx.add.f32.msk $0xffff, v10;
	v10 =	vmul.f32 v11, v9  }
0xb2: {  	v11 =	vld.idx.msk [tilespmem:v3+s20+$0x0], $0xffff  }
0xb3: {  	[tilespmem:v6+s15+$0x0] =	vst.idx.add.f32.msk $0xffff, v10;
	v10 =	vmul.f32 v12, v4  }
0xb4: {  	v12 =	vld.idx.msk [tilespmem:v6+s16+$0x0], $0xffff  }
0xb5: {  	v13 =	vmul.f32 v13, v8;
	[tilespmem:v2+s21+$0x0] =	vst.idx.add.f32.msk $0xffff, v10  }
0xb6: {  	v14 =	vld.idx.msk [tilespmem:v2+s22+$0x0], $0xffff  }
0xb7: {  	[tilespmem:v7+s15+$0x0] =	vst.idx.add.f32.msk $0xffff, v13;
	v10 =	vmul.f32 v11, v5  }
0xb8: {  	v11 =	vld.idx.msk [tilespmem:v7+s16+$0x0], $0xffff  }
0xb9: {  	[tilespmem:v3+s21+$0x0] =	vst.idx.add.f32.msk $0xffff, v10;
	v12 =	vmul.f32 v12, v9  }
0xba: {  	v10 =	vld.idx.msk [tilespmem:v3+s22+$0x0], $0xffff  }
0xbb: {  	[tilespmem:v6+s17+$0x0] =	vst.idx.add.f32.msk $0xffff, v12;
	v13 =	vmul.f32 v14, v4  }
0xbc: {  	s0 =	simm.s32 $0x50;
	s1 =	simm.s32 $0x2;
	v12 =	vld.idx.msk [tilespmem:v6+s18+$0x0], $0xffff  }
.LBB2_17:
0xbd: {  	s4 =	sadd.s32 $0xFFFFFFF0, s0;
	v14 =	vor.u32 s0, v1;
	v11 =	vmul.f32 v11, v8;
	[tilespmem:v2+s23+$0x0] =	vst.idx.add.f32.msk $0xffff, v13  }
0xbe: {  	v13 =	vor.u32 s4, v1;
	v15 =	vld.idx.msk [tilespmem:v2+s24+$0x0], $0xffff  }
0xbf: {  	s1 =	sadd.s32 $0x2, s1;
	v10 =	vmul.f32 v10, v5;
	[tilespmem:v7+s17+$0x0] =	vst.idx.add.f32.msk $0xffff, v11  }
0xc0: {  	p0 =	slt.u32 s1, $0x62;
	v11 =	vld.idx.msk [tilespmem:v7+s18+$0x0], $0xffff  }
0xc1: {  	s31 =	sadd.s32 $0x20, s31;
	[tilespmem:v3+s23+$0x0] =	vst.idx.add.f32.msk $0xffff, v10  }
0xc2: {  	v12 =	vmul.f32 v12, v9;
	v10 =	vld [tilespmem:s31+$0xFFFFFFF0]  }
0xc3: {  	v16 =	vld.idx.msk [tilespmem:v13+s2+$0x0], $0xffff  }
0xc4: {  	[tilespmem:v6+s19+$0x0] =	vst.idx.add.f32.msk $0xffff, v12;
	v12 =	vmul.f32 v15, v4;
	v4 =	vmov v9  }
0xc5: {  	v15 =	vld.idx.msk [tilespmem:v6+s20+$0x0], $0xffff  }
0xc6: {  	v11 =	vmul.f32 v11, v8;
	[tilespmem:v2+s25+$0x0] =	vst.idx.add.f32.msk $0xffff, v12;
	v2 =	vmov v6;
	v6 =	vmov v13  }
0xc7: {  	v12 =	vld.idx.msk [tilespmem:v14+s2+$0x0], $0xffff;
	v9 =	vmov v10  }
0xc8: {  	v10 =	vld [tilespmem:s31+$0x0]  }
0xc9: {  	[tilespmem:v7+s19+$0x0] =	vst.idx.add.f32.msk $0xffff, v11  }
0xca: {  	v11 =	vmul.f32 v16, v9;
	v13 =	vld.idx.msk [tilespmem:v7+s20+$0x0], $0xffff  }
0xcb: {  	v16 =	vld.idx.msk [tilespmem:v3+s24+$0x0], $0xffff  }
0xcc: {  	[tilespmem:v6+s15+$0x0] =	vst.idx.add.f32.msk $0xffff, v11;
	v11 =	vmul.f32 v15, v4  }
0xcd: {  	v15 =	vld.idx.msk [tilespmem:v6+s16+$0x0], $0xffff;
	v12 =	vmul.f32 v12, v10  }
0xce: {  	[tilespmem:v2+s21+$0x0] =	vst.idx.add.f32.msk $0xffff, v11  }
0xcf: {  	v17 =	vld.idx.msk [tilespmem:v2+s22+$0x0], $0xffff  }
0xd0: {  	[tilespmem:v14+s15+$0x0] =	vst.idx.add.f32.msk $0xffff, v12;
	v12 =	vmul.f32 v13, v8  }
0xd1: {  	v13 =	vmul.f32 v16, v5;
	v5 =	vmov v8;
	v8 =	vmov v10;
	v11 =	vld.idx.msk [tilespmem:v14+s16+$0x0], $0xffff  }
.Ltmp7:
0xd2: {  	[tilespmem:v7+s21+$0x0] =	vst.idx.add.f32.msk $0xffff, v12;
	(pc) =	sbr.rel @p0 .LBB2_17-.Ltmp7, $4  }
0xd3: {  	v12 =	vmul.f32 v15, v9;
	v10 =	vld.idx.msk [tilespmem:v7+s22+$0x0], $0xffff  }
0xd4: {  	[tilespmem:v3+s25+$0x0] =	vst.idx.add.f32.msk $0xffff, v13;
	v3 =	vmov v7;
	v7 =	vmov v14  }
0xd5: {  	v13 =	vmul.f32 v17, v4;
	[tilespmem:v6+s17+$0x0] =	vst.idx.add.f32.msk $0xffff, v12  }
0xd6: {  	s0 =	sadd.s32 $0x20, s0;
	v12 =	vld.idx.msk [tilespmem:v6+s18+$0x0], $0xffff  }
0xd7: {  	_ =	sdelay $0x1  }
0xd8: {  	v11 =	vmul.f32 v11, v8;
	_ =	sdelay $0x1  }
0xd9: {  	[tilespmem:v7+s17+$0x0] =	vst.idx.add.f32.msk $0xffff, v11  }
0xda: {  	v11 =	vld.idx.msk [tilespmem:v7+s18+$0x0], $0xffff;
	_ =	sdelay $0x2  }
0xdb: {  	v12 =	vmul.f32 v12, v9;
	_ =	sdelay $0x1  }
0xdc: {  	[tilespmem:v6+s19+$0x0] =	vst.idx.add.f32.msk $0xffff, v12;
	v11 =	vmul.f32 v11, v8  }
0xdd: {  	v12 =	vld.idx.msk [tilespmem:v6+s20+$0x0], $0xffff  }
0xde: {  	[tilespmem:v7+s19+$0x0] =	vst.idx.add.f32.msk $0xffff, v11  }
0xdf: {  	v11 =	vld.idx.msk [tilespmem:v7+s20+$0x0], $0xffff;
	_ =	sdelay $0x2  }
0xe0: {  	v12 =	vmul.f32 v12, v9;
	_ =	sdelay $0x1  }
0xe1: {  	[tilespmem:v6+s21+$0x0] =	vst.idx.add.f32.msk $0xffff, v12;
	v11 =	vmul.f32 v11, v8  }
0xe2: {  	v12 =	vld.idx.msk [tilespmem:v6+s22+$0x0], $0xffff  }
0xe3: {  	[tilespmem:v7+s21+$0x0] =	vst.idx.add.f32.msk $0xffff, v11  }
0xe4: {  	v11 =	vld.idx.msk [tilespmem:v7+s22+$0x0], $0xffff  }
0xe5: {  	[tilespmem:v2+s23+$0x0] =	vst.idx.add.f32.msk $0xffff, v13;
	v10 =	vmul.f32 v10, v5  }
0xe6: {  	v13 =	vld.idx.msk [tilespmem:v2+s24+$0x0], $0xffff  }
0xe7: {  	[tilespmem:v3+s23+$0x0] =	vst.idx.add.f32.msk $0xffff, v10;
	v59 =	vmul.f32 v12, v9  }
0xe8: {  	v60 =	vld.idx.msk [tilespmem:v3+s24+$0x0], $0xffff  }
0xe9: {  	[tilespmem:v6+s23+$0x0] =	vst.idx.add.f32.msk $0xffff, v59;
	v61 =	vmul.f32 v11, v8  }
0xea: {  	v62 =	vld.idx.msk [tilespmem:v6+s24+$0x0], $0xffff  }
0xeb: {  	[tilespmem:v7+s23+$0x0] =	vst.idx.add.f32.msk $0xffff, v61  }
0xec: {  	v10 =	vld.idx.msk [tilespmem:v7+s24+$0x0], $0xffff;
	_ =	sdelay $0x1  }
0xed: {  	s29 =	sadd.s32 $0x1, s29;
	v4 =	vmul.f32 v13, v4  }
0xee: {  	s0 =	smin.u32 s30, $0x60;
	p0 =	sne.s32 s29, $0x32;
	v63 =	vmul.f32 v60, v5  }
.Ltmp8:
0xef: {  	s0 =	sadd.s32 s0, s8;
	[tilespmem:v2+s25+$0x0] =	vst.idx.add.f32.msk $0xffff, v4;
	v2 =	vmul.f32 v62, v9;
	(pc) =	sbr.rel @p0 .LBB2_14-.Ltmp8, $4  }
0xf0: {  	s0 =	smul.u32 $0x258, s0;
	[tilespmem:v3+s25+$0x0] =	vst.idx.add.f32.msk $0xffff, v63;
	v3 =	vmul.f32 v10, v8  }
0xf1: {  	[tilespmem:v6+s25+$0x0] =	vst.idx.add.f32.msk $0xffff, v2  }
0xf2: {  	s0 =	sadd.s32 s3, s0;
	[tilespmem:v7+s25+$0x0] =	vst.idx.add.f32.msk $0xffff, v3  }
0xf3: {  	[tilespmem:s12], [sflag:$0x2] =	stream.linear.gather [hbm4b:s0+s2], $0x12C0, $0x38;
	[tilespmem:$0x1FA40] =	vst v63  }
0xf4: {  	_ =	swait.ge [sflag:s14], $0x12C0  }
0xf5: {  	[sflag:s14] =	ssyncset.done $0x0  }
0xf6: {  	[sflag:s14] =	ssyncadd.s32 $0xFFFFED40  }
0xf7: {  	s28 =	sadd.s32 $0x1, s28;
	_ =	swait.ge [sflag:s26], $0x12C0  }
0xf8: {  	p0 =	sne.s32 s28, s10;
	[sflag:s26] =	ssyncset.done $0x0  }
.Ltmp9:
0xf9: {  	[sflag:s26] =	ssyncadd.s32 $0xFFFFED40;
	(pc) =	sbr.rel @p0 .LBB2_1-.Ltmp9, $4  }
0xfa: {  	[hbm4b:s9+s2] =	stream.linear.scatter [tilespmem:s15], [sflag:$0x3], $0xEA60, $0x38;
	[tilespmem:$0x1FA40] =	vst v63  }
0xfb: {  	_ =	swait.ge [sflag:s13], $0xEA60  }
0xfc: {  	[sflag:s13] =	ssyncset.done $0x0  }
0xfd: {  	[sflag:s13] =	ssyncadd.s32 $0xFFFF15A0  }
0xfe: {  	_ =	sfence.sel $0x180000  }
0xff: {  	[bflag:$0x0] =	sbarrier.arrive $0xFFFF  }
0x100: {  	_ =	strace $0x9000004A  }
0x101: {  	s0 =	stileid.u32;
	[bflag:$0x2] =	sbarrier.arrive $0xFFFF  }
0x102: {  	p0 =	sne.s32 s0, $0x0;
	s0 =	rddreg [dreg:$0x1]  }
0x103: {  	s0 =	sadd.s32 @!p0 $0x100000, s0  }
0x104: {  	[sflag:s0] =	ssyncadd.tile.s32 @!p0 $0x1;
	_ =	shalt  }
.Lfunc_end2:
_tile_overlayer_lowered:
.L_overlay_start_2:
0x105: {  	(tag) =	ssettag $0x2  }
0x106: {  	s0 =	rddreg [dreg:$0x0];
	s2 =	stileid.u32  }
0x107: {  	s1 =	rddreg [dreg:$0x1];
	p0 =	sne.s32 s2, $0x0  }
0x108: {  	s3 =	rddreg [dreg:$0x2];
	[bflag:$0x3] =	sbarrier.arrive $0xFFFF;
	s2 =	simm.s32 @!p0 $0x1C03  }
0x109: {  	[timem:s3], [sflag:s2] =	dma.local @!p0 [hbm:s0], s1  }
0x10a: {  	s0 =	simm.s32 @!p0 $0x3  }
0x10b: {  	_ =	swait.ge @!p0 [sflag:s0], s1  }
0x10c: {  	s1 =	ssub.s32 @!p0 $0x0, s1;
	[sflag:s0] =	ssyncset.done @!p0 $0x0  }
0x10d: {  	[sflag:s0] =	ssyncadd.s32 @!p0 s1  }
0x10e: {  	[bflag:$0x3] =	sbarrier.arrive $0xFFFF  }
0x10f: {  	_ =	shalt  }

</sc_bundles>
